<compile_context>
chip_gen: v7x
topology: tpu7x:2x2x1
jax: 0.10.2.dev20260603
libtpu: 0.0.44.dev20260713+nightly
codegen_flags: <defaults>
</compile_context>

<pallas_src>
import functools

import jax
import jax.numpy as jnp
from jax import lax
from jax.experimental import pallas as pl
from jax.experimental.pallas import tpu as pltpu
from jax.experimental.pallas import tpu_sc as plsc

BATCH = 16384
EMB_DIM = 128
NUM_EMB = 16

NC = 2
NS = 16
NW = NC * NS
TOTAL = BATCH * 16
ROWS_W = TOTAL // NW
CHUNK = 128
NBUF = 4
NOUTER = ROWS_W // (CHUNK * NBUF)


def _body(tab_hbm, x_hbm, out_hbm, tabv, xv, *bufs_and_sems):
    bufs = bufs_and_sems[:NBUF]
    wsems = bufs_and_sems[NBUF:]
    cid = lax.axis_index("c")
    sid = lax.axis_index("s")
    wid = sid * NC + cid
    base = wid * ROWS_W

    pltpu.sync_copy(tab_hbm, tabv)
    pltpu.sync_copy(x_hbm.at[pl.ds(base, ROWS_W)], xv)

    lane = lax.iota(jnp.int32, 16)
    lane128 = lane * EMB_DIM

    def outer(g, carry):
        for b in range(NBUF):
            j = g * NBUF + b

            @pl.when(g > 0)
            def _wait_prev_write():
                pltpu.make_async_copy(
                    bufs[b], out_hbm.at[pl.ds(0, CHUNK * EMB_DIM)], wsems[b]
                ).wait()

            buf = bufs[b]

            def group(i, carry):
                x = xv[pl.ds(j * CHUNK + i * 16, 16)]
                f = (x | 1).astype(jnp.float32)
                bits = lax.bitcast_convert_type(f, jnp.int32)
                e128 = (lax.shift_right_logical(bits, 16) - (127 << 7)) & -128
                rowb = lane128 + i * (16 * EMB_DIM)

                @plsc.parallel_loop(0, EMB_DIM, unroll=8)
                def phase(c0):
                    cols = (lane + c0) & (EMB_DIM - 1)
                    vals = plsc.load_gather(tabv, [e128 + cols])
                    plsc.store_scatter(buf, [rowb + cols], vals)

                return carry

            lax.fori_loop(0, CHUNK // 16, group, 0)

            pltpu.async_copy(
                buf,
                out_hbm.at[pl.ds((base + j * CHUNK) * EMB_DIM, CHUNK * EMB_DIM)],
                wsems[b],
            )
        return carry

    lax.fori_loop(0, NOUTER, outer, 0)

    for b in range(NBUF):
        pltpu.make_async_copy(
            bufs[b], out_hbm.at[pl.ds(0, CHUNK * EMB_DIM)], wsems[b]
        ).wait()


@jax.jit
def _run(tabflat, xflat):
    mesh = plsc.VectorSubcoreMesh(core_axis_name="c", subcore_axis_name="s")
    scratch = [
        pltpu.VMEM((NUM_EMB * EMB_DIM,), jnp.float32),
        pltpu.VMEM((ROWS_W,), jnp.int32),
    ] + [pltpu.VMEM((CHUNK * EMB_DIM,), jnp.float32)] * NBUF + [
        pltpu.SemaphoreType.DMA
    ] * NBUF
    k = pl.kernel(
        _body,
        out_type=jax.ShapeDtypeStruct((TOTAL * EMB_DIM,), jnp.float32),
        mesh=mesh,
        scratch_types=scratch,
        compiler_params=pltpu.CompilerParams(needs_layout_passes=False),
    )
    return k(tabflat, xflat)


def kernel(X, emb_weight):
    xflat = X.astype(jnp.int32).reshape(TOTAL)
    tabflat = emb_weight.reshape(NUM_EMB * EMB_DIM)
    out = _run(tabflat, xflat)
    return out.reshape(BATCH, 16 * EMB_DIM)

# --- scband reference (transcript-rebuilt; emitter-appended) ---
"""Pipeline reference for scband-board2-tensor-25864293056794 (READ-ONLY COPY).

The authoritative reference and input builder live on the scoring server;
editing this copy changes nothing except your own understanding.
"""

import jax, jax.numpy as jnp
import numpy as np

BATCH = 16384
EMB_DIM = 128
NUM_EMB = 16


def setup_inputs(seed: int = 0) -> dict:
    key = jax.random.key(seed)
    k1, k2 = jax.random.split(key)
    X = jax.random.randint(k1, (BATCH, 4, 4), 0, 2048, dtype=jnp.int64) if jax.config.jax_enable_x64 else jax.random.randint(k1, (BATCH, 4, 4), 0, 2048, dtype=jnp.int32)
    emb_weight = jax.random.normal(k2, (NUM_EMB, EMB_DIM), dtype=jnp.float32)
    return {"X": X, "emb_weight": emb_weight}


def reference(X, emb_weight):
    # X: int[batch, 4, 4] board values (0, 2, 4, ..., 2048)
    Xf = X.reshape(X.shape[0], 16)
    # replace zeros with ones so log2 is defined (log2(1) = 0 -> index 0)
    new_X = jnp.where(Xf != 0, Xf, jnp.ones_like(Xf))
    # log2 then truncate to int (matches np.log2(...).astype(int))
    idx = jnp.log2(new_X.astype(jnp.float32)).astype(jnp.int32)
    # embedding lookup (gather)
    X_emb = jnp.take(emb_weight, idx, axis=0)  # [batch, 16, emb_dim]
    concatenated_emb = X_emb.reshape(X_emb.shape[0], -1)  # [batch, 16*emb_dim]
    return concatenated_emb

if __name__ == "__main__":
    import jax
    _d = setup_inputs()
    print(jax.jit(kernel)(*tuple(_d.values())))

</pallas_src>

<mosaic_0001>
#map = affine_map<(d0, d1) -> (0)>
module attributes {stable_mosaic.version = 14 : i64} {
  func.func @_body(%arg0: i32, %arg1: i32, %arg2: memref<2048xf32, #tpu.memory_space<hbm>>, %arg3: memref<262144xi32, #tpu.memory_space<hbm>>, %arg4: memref<33554432xf32, #tpu.memory_space<hbm>>, %arg5: memref<2048xf32, #tpu.memory_space<vmem>>, %arg6: memref<8192xi32, #tpu.memory_space<vmem>>, %arg7: memref<16384xf32, #tpu.memory_space<vmem>>, %arg8: memref<16384xf32, #tpu.memory_space<vmem>>, %arg9: memref<16384xf32, #tpu.memory_space<vmem>>, %arg10: memref<16384xf32, #tpu.memory_space<vmem>>, %arg11: memref<!tpu.dma_semaphore, #tpu.memory_space<semaphore_mem>>, %arg12: memref<!tpu.dma_semaphore, #tpu.memory_space<semaphore_mem>>, %arg13: memref<!tpu.dma_semaphore, #tpu.memory_space<semaphore_mem>>, %arg14: memref<!tpu.dma_semaphore, #tpu.memory_space<semaphore_mem>>) attributes {dimension_semantics = [#tpu.dimension_semantics<core_parallel>, #tpu.dimension_semantics<subcore_parallel>], iteration_bounds = array<i64: 2, 16>, scalar_prefetch = 0 : i64, scratch_operands = 10 : i64, tpu.core_type = #tpu.core_type<sc_vector_subcore>, window_params = [{transform_indices = #map}, {transform_indices = #map}, {transform_indices = #map}]} {
    %mul3A = arith.constant 2 : i32
    %mul3A_0 = arith.muli %arg1, %mul3A : i32
    %add3A = arith.addi %mul3A_0, %arg0 : i32
    %mul3A_1 = arith.constant 8192 : i32
    %mul3A_2 = arith.muli %add3A, %mul3A_1 : i32
    "tpu.region"() ({
      %run_scoped3A = tpu.sem_alloc : memref<!tpu.dma_semaphore, #tpu.memory_space<semaphore_mem>>
      tpu.enqueue_dma source(%arg2 : memref<2048xf32, #tpu.memory_space<hbm>>) target(%arg5 : memref<2048xf32, #tpu.memory_space<vmem>>) target_semaphore(%run_scoped3A : memref<!tpu.dma_semaphore, #tpu.memory_space<semaphore_mem>>)
      tpu.wait_dma2 semaphore(%run_scoped3A : memref<!tpu.dma_semaphore, #tpu.memory_space<semaphore_mem>>) src(%arg2 : memref<2048xf32, #tpu.memory_space<hbm>>) dst(%arg5 : memref<2048xf32, #tpu.memory_space<vmem>>)
      tpu.yield
    }) : () -> ()
    "tpu.region"() ({
      %run_scoped3A = tpu.sem_alloc : memref<!tpu.dma_semaphore, #tpu.memory_space<semaphore_mem>>
      %dma_start3A = tpu.memref_slice %arg3[%mul3A_2] : memref<262144xi32, #tpu.memory_space<hbm>> -> memref<8192xi32, #tpu.memory_space<hbm>>
      %dma_start3A_26 = tpu.memref_slice %arg3[%mul3A_2] : memref<262144xi32, #tpu.memory_space<hbm>> -> memref<8192xi32, #tpu.memory_space<hbm>>
      tpu.enqueue_dma source(%dma_start3A_26 : memref<8192xi32, #tpu.memory_space<hbm>>) target(%arg6 : memref<8192xi32, #tpu.memory_space<vmem>>) target_semaphore(%run_scoped3A : memref<!tpu.dma_semaphore, #tpu.memory_space<semaphore_mem>>)
      %dma_wait3A_27 = tpu.memref_slice %arg3[%mul3A_2] : memref<262144xi32, #tpu.memory_space<hbm>> -> memref<8192xi32, #tpu.memory_space<hbm>>
      %dma_wait3A_28 = tpu.memref_slice %arg3[%mul3A_2] : memref<262144xi32, #tpu.memory_space<hbm>> -> memref<8192xi32, #tpu.memory_space<hbm>>
      tpu.wait_dma2 semaphore(%run_scoped3A : memref<!tpu.dma_semaphore, #tpu.memory_space<semaphore_mem>>) src(%dma_wait3A_28 : memref<8192xi32, #tpu.memory_space<hbm>>) dst(%arg6 : memref<8192xi32, #tpu.memory_space<vmem>>)
      tpu.yield
    }) : () -> ()
    %iota3A = tpu.iota {dimensions = array<i32: 0>} : vector<16xi32>
    %mul3A_3 = arith.constant 128 : i32
    %mul3A_4 = vector.broadcast %mul3A_3 : i32 to vector<16xi32>
    %mul3A_5 = arith.muli %iota3A, %mul3A_4 : vector<16xi32>
    %scan3A = arith.constant 0 : i32
    %scan3A_6 = arith.constant 0 : i32
    %scan3A_7 = arith.constant 16 : i32
    %scan3A_8 = arith.addi %scan3A_6, %scan3A_7 : i32
    %scan3A_9 = arith.constant 1 : i32
    scf.for %scan3A_26 = %scan3A_6 to %scan3A_8 step %scan3A_9  : i32 {
      %mul3A_27 = arith.constant 4 : i32
      %mul3A_28 = arith.muli %scan3A_26, %mul3A_27 : i32
      %add3A_29 = arith.constant 0 : i32
      %add3A_30 = arith.addi %mul3A_28, %add3A_29 : i32
      %gt3A = arith.constant 0 : i32
      %gt3A_31 = arith.cmpi sgt, %scan3A_26, %gt3A : i32
      %convert_element_type3A = arith.extui %gt3A_31 : i1 to i32
      %cond3A = arith.constant 0 : i32
      %cond3A_32 = arith.cmpi ne, %convert_element_type3A, %cond3A : i32
      scf.if %cond3A_32 {
        %dma_wait3A_111 = arith.constant 0 : i32
        %dma_wait3A_112 = tpu.memref_slice %arg4[%dma_wait3A_111] : memref<33554432xf32, #tpu.memory_space<hbm>> -> memref<16384xf32, #tpu.memory_space<hbm>>
        %dma_wait3A_113 = arith.constant 0 : i32
        %dma_wait3A_114 = tpu.memref_slice %arg4[%dma_wait3A_113] : memref<33554432xf32, #tpu.memory_space<hbm>> -> memref<16384xf32, #tpu.memory_space<hbm>>
        tpu.wait_dma2 semaphore(%arg11 : memref<!tpu.dma_semaphore, #tpu.memory_space<semaphore_mem>>) src(%arg7 : memref<16384xf32, #tpu.memory_space<vmem>>) dst(%dma_wait3A_114 : memref<16384xf32, #tpu.memory_space<hbm>>)
      } else {
      }
      %scan3A_33 = arith.constant 0 : i32
      %scan3A_34 = arith.constant 0 : i32
      %scan3A_35 = arith.constant 8 : i32
      %scan3A_36 = arith.addi %scan3A_34, %scan3A_35 : i32
      %scan3A_37 = arith.constant 1 : i32
      scf.for %scan3A_111 = %scan3A_34 to %scan3A_36 step %scan3A_37  : i32 {
        %mul3A_112 = arith.constant 128 : i32
        %mul3A_113 = arith.muli %add3A_30, %mul3A_112 : i32
        %mul3A_114 = arith.constant 16 : i32
        %mul3A_115 = arith.muli %scan3A_111, %mul3A_114 : i32
        %add3A_116 = arith.addi %mul3A_113, %mul3A_115 : i32
        %get3A = arith.index_cast %add3A_116 : i32 to index
        %get3A_117 = tpu.vector_load %arg6[%get3A] {strides = array<i32>} : memref<8192xi32, #tpu.memory_space<vmem>>, vector<16xi32>,
        %or3A = arith.constant 1 : i32
        %or3A_118 = vector.broadcast %or3A : i32 to vector<16xi32>
        %or3A_119 = arith.ori %get3A_117, %or3A_118 : vector<16xi32>
        %convert_element_type3A_120 = arith.sitofp %or3A_119 : vector<16xi32> to vector<16xf32>
        %bitcast_convert_type3A = tpu.bitcast %convert_element_type3A_120 : vector<16xf32> -> vector<16xi32>
        %shift_right_logical3A = arith.constant 16 : i32
        %shift_right_logical3A_121 = vector.broadcast %shift_right_logical3A : i32 to vector<16xi32>
        %shift_right_logical3A_122 = arith.shrui %bitcast_convert_type3A, %shift_right_logical3A_121 : vector<16xi32>
        %sub3A = arith.constant 16256 : i32
        %sub3A_123 = vector.broadcast %sub3A : i32 to vector<16xi32>
        %sub3A_124 = arith.subi %shift_right_logical3A_122, %sub3A_123 : vector<16xi32>
        %and3A = arith.constant -128 : i32
        %and3A_125 = vector.broadcast %and3A : i32 to vector<16xi32>
        %and3A_126 = arith.andi %sub3A_124, %and3A_125 : vector<16xi32>
        %mul3A_127 = arith.constant 2048 : i32
        %mul3A_128 = arith.muli %scan3A_111, %mul3A_127 : i32
        %add3A_129 = vector.broadcast %mul3A_128 : i32 to vector<16xi32>
        %add3A_130 = arith.addi %mul3A_5, %add3A_129 : vector<16xi32>
        %parallel_loop3A = arith.constant 0 : i32
        %parallel_loop3A_131 = arith.constant 128 : i32
        %parallel_loop3A_132 = arith.constant 1 : i32
        scf.for %parallel_loop3A_133 = %parallel_loop3A to %parallel_loop3A_131 step %parallel_loop3A_132  : i32 {
          %parallel_loop3A_134 = vector.broadcast %parallel_loop3A_133 : i32 to vector<16xi32>
          %parallel_loop3A_135 = arith.addi %iota3A, %parallel_loop3A_134 : vector<16xi32>
          %parallel_loop3A_136 = arith.constant 127 : i32
          %parallel_loop3A_137 = vector.broadcast %parallel_loop3A_136 : i32 to vector<16xi32>
          %parallel_loop3A_138 = arith.andi %parallel_loop3A_135, %parallel_loop3A_137 : vector<16xi32>
          %parallel_loop3A_139 = arith.addi %and3A_126, %parallel_loop3A_138 : vector<16xi32>
          %parallel_loop3A_140 = tpu.vector_load_idx %arg5[%parallel_loop3A_139] : memref<2048xf32, #tpu.memory_space<vmem>>[vector<16xi32>], vector<16xf32>,
          %parallel_loop3A_141 = arith.addi %add3A_130, %parallel_loop3A_138 : vector<16xi32>
          tpu.vector_store_idx %arg7[%parallel_loop3A_141], %parallel_loop3A_140 : memref<16384xf32, #tpu.memory_space<vmem>>[vector<16xi32>], vector<16xf32>,
        } {sc.loop_unroll_factor = 8 : i64, sc.parallel_access}
      }
      %scan3A_38 = arith.constant 8 : i32
      %mul3A_39 = arith.constant 128 : i32
      %mul3A_40 = arith.muli %add3A_30, %mul3A_39 : i32
      %add3A_41 = arith.addi %mul3A_2, %mul3A_40 : i32
      %mul3A_42 = arith.constant 128 : i32
      %mul3A_43 = arith.muli %add3A_41, %mul3A_42 : i32
      %dma_start3A = tpu.memref_slice %arg4[%mul3A_43] : memref<33554432xf32, #tpu.memory_space<hbm>> -> memref<16384xf32, #tpu.memory_space<hbm>>
      %dma_start3A_44 = tpu.memref_slice %arg4[%mul3A_43] : memref<33554432xf32, #tpu.memory_space<hbm>> -> memref<16384xf32, #tpu.memory_space<hbm>>
      tpu.enqueue_dma source(%arg7 : memref<16384xf32, #tpu.memory_space<vmem>>) target(%dma_start3A_44 : memref<16384xf32, #tpu.memory_space<hbm>>) target_semaphore(%arg11 : memref<!tpu.dma_semaphore, #tpu.memory_space<semaphore_mem>>)
      %mul3A_45 = arith.constant 4 : i32
      %mul3A_46 = arith.muli %scan3A_26, %mul3A_45 : i32
      %add3A_47 = arith.constant 1 : i32
      %add3A_48 = arith.addi %mul3A_46, %add3A_47 : i32
      %gt3A_49 = arith.constant 0 : i32
      %gt3A_50 = arith.cmpi sgt, %scan3A_26, %gt3A_49 : i32
      %convert_element_type3A_51 = arith.extui %gt3A_50 : i1 to i32
      %cond3A_52 = arith.constant 0 : i32
      %cond3A_53 = arith.cmpi ne, %convert_element_type3A_51, %cond3A_52 : i32
      scf.if %cond3A_53 {
        %dma_wait3A_111 = arith.constant 0 : i32
        %dma_wait3A_112 = tpu.memref_slice %arg4[%dma_wait3A_111] : memref<33554432xf32, #tpu.memory_space<hbm>> -> memref<16384xf32, #tpu.memory_space<hbm>>
        %dma_wait3A_113 = arith.constant 0 : i32
        %dma_wait3A_114 = tpu.memref_slice %arg4[%dma_wait3A_113] : memref<33554432xf32, #tpu.memory_space<hbm>> -> memref<16384xf32, #tpu.memory_space<hbm>>
        tpu.wait_dma2 semaphore(%arg12 : memref<!tpu.dma_semaphore, #tpu.memory_space<semaphore_mem>>) src(%arg8 : memref<16384xf32, #tpu.memory_space<vmem>>) dst(%dma_wait3A_114 : memref<16384xf32, #tpu.memory_space<hbm>>)
      } else {
      }
      %scan3A_54 = arith.constant 0 : i32
      %scan3A_55 = arith.constant 0 : i32
      %scan3A_56 = arith.constant 8 : i32
      %scan3A_57 = arith.addi %scan3A_55, %scan3A_56 : i32
      %scan3A_58 = arith.constant 1 : i32
      scf.for %scan3A_111 = %scan3A_55 to %scan3A_57 step %scan3A_58  : i32 {
        %mul3A_112 = arith.constant 128 : i32
        %mul3A_113 = arith.muli %add3A_48, %mul3A_112 : i32
        %mul3A_114 = arith.constant 16 : i32
        %mul3A_115 = arith.muli %scan3A_111, %mul3A_114 : i32
        %add3A_116 = arith.addi %mul3A_113, %mul3A_115 : i32
        %get3A = arith.index_cast %add3A_116 : i32 to index
        %get3A_117 = tpu.vector_load %arg6[%get3A] {strides = array<i32>} : memref<8192xi32, #tpu.memory_space<vmem>>, vector<16xi32>,
        %or3A = arith.constant 1 : i32
        %or3A_118 = vector.broadcast %or3A : i32 to vector<16xi32>
        %or3A_119 = arith.ori %get3A_117, %or3A_118 : vector<16xi32>
        %convert_element_type3A_120 = arith.sitofp %or3A_119 : vector<16xi32> to vector<16xf32>
        %bitcast_convert_type3A = tpu.bitcast %convert_element_type3A_120 : vector<16xf32> -> vector<16xi32>
        %shift_right_logical3A = arith.constant 16 : i32
        %shift_right_logical3A_121 = vector.broadcast %shift_right_logical3A : i32 to vector<16xi32>
        %shift_right_logical3A_122 = arith.shrui %bitcast_convert_type3A, %shift_right_logical3A_121 : vector<16xi32>
        %sub3A = arith.constant 16256 : i32
        %sub3A_123 = vector.broadcast %sub3A : i32 to vector<16xi32>
        %sub3A_124 = arith.subi %shift_right_logical3A_122, %sub3A_123 : vector<16xi32>
        %and3A = arith.constant -128 : i32
        %and3A_125 = vector.broadcast %and3A : i32 to vector<16xi32>
        %and3A_126 = arith.andi %sub3A_124, %and3A_125 : vector<16xi32>
        %mul3A_127 = arith.constant 2048 : i32
        %mul3A_128 = arith.muli %scan3A_111, %mul3A_127 : i32
        %add3A_129 = vector.broadcast %mul3A_128 : i32 to vector<16xi32>
        %add3A_130 = arith.addi %mul3A_5, %add3A_129 : vector<16xi32>
        %parallel_loop3A = arith.constant 0 : i32
        %parallel_loop3A_131 = arith.constant 128 : i32
        %parallel_loop3A_132 = arith.constant 1 : i32
        scf.for %parallel_loop3A_133 = %parallel_loop3A to %parallel_loop3A_131 step %parallel_loop3A_132  : i32 {
          %parallel_loop3A_134 = vector.broadcast %parallel_loop3A_133 : i32 to vector<16xi32>
          %parallel_loop3A_135 = arith.addi %iota3A, %parallel_loop3A_134 : vector<16xi32>
          %parallel_loop3A_136 = arith.constant 127 : i32
          %parallel_loop3A_137 = vector.broadcast %parallel_loop3A_136 : i32 to vector<16xi32>
          %parallel_loop3A_138 = arith.andi %parallel_loop3A_135, %parallel_loop3A_137 : vector<16xi32>
          %parallel_loop3A_139 = arith.addi %and3A_126, %parallel_loop3A_138 : vector<16xi32>
          %parallel_loop3A_140 = tpu.vector_load_idx %arg5[%parallel_loop3A_139] : memref<2048xf32, #tpu.memory_space<vmem>>[vector<16xi32>], vector<16xf32>,
          %parallel_loop3A_141 = arith.addi %add3A_130, %parallel_loop3A_138 : vector<16xi32>
          tpu.vector_store_idx %arg8[%parallel_loop3A_141], %parallel_loop3A_140 : memref<16384xf32, #tpu.memory_space<vmem>>[vector<16xi32>], vector<16xf32>,
        } {sc.loop_unroll_factor = 8 : i64, sc.parallel_access}
      }
      %scan3A_59 = arith.constant 8 : i32
      %mul3A_60 = arith.constant 128 : i32
      %mul3A_61 = arith.muli %add3A_48, %mul3A_60 : i32
      %add3A_62 = arith.addi %mul3A_2, %mul3A_61 : i32
      %mul3A_63 = arith.constant 128 : i32
      %mul3A_64 = arith.muli %add3A_62, %mul3A_63 : i32
      %dma_start3A_65 = tpu.memref_slice %arg4[%mul3A_64] : memref<33554432xf32, #tpu.memory_space<hbm>> -> memref<16384xf32, #tpu.memory_space<hbm>>
      %dma_start3A_66 = tpu.memref_slice %arg4[%mul3A_64] : memref<33554432xf32, #tpu.memory_space<hbm>> -> memref<16384xf32, #tpu.memory_space<hbm>>
      tpu.enqueue_dma source(%arg8 : memref<16384xf32, #tpu.memory_space<vmem>>) target(%dma_start3A_66 : memref<16384xf32, #tpu.memory_space<hbm>>) target_semaphore(%arg12 : memref<!tpu.dma_semaphore, #tpu.memory_space<semaphore_mem>>)
      %mul3A_67 = arith.constant 4 : i32
      %mul3A_68 = arith.muli %scan3A_26, %mul3A_67 : i32
      %add3A_69 = arith.constant 2 : i32
      %add3A_70 = arith.addi %mul3A_68, %add3A_69 : i32
      %gt3A_71 = arith.constant 0 : i32
      %gt3A_72 = arith.cmpi sgt, %scan3A_26, %gt3A_71 : i32
      %convert_element_type3A_73 = arith.extui %gt3A_72 : i1 to i32
      %cond3A_74 = arith.constant 0 : i32
      %cond3A_75 = arith.cmpi ne, %convert_element_type3A_73, %cond3A_74 : i32
      scf.if %cond3A_75 {
        %dma_wait3A_111 = arith.constant 0 : i32
        %dma_wait3A_112 = tpu.memref_slice %arg4[%dma_wait3A_111] : memref<33554432xf32, #tpu.memory_space<hbm>> -> memref<16384xf32, #tpu.memory_space<hbm>>
        %dma_wait3A_113 = arith.constant 0 : i32
        %dma_wait3A_114 = tpu.memref_slice %arg4[%dma_wait3A_113] : memref<33554432xf32, #tpu.memory_space<hbm>> -> memref<16384xf32, #tpu.memory_space<hbm>>
        tpu.wait_dma2 semaphore(%arg13 : memref<!tpu.dma_semaphore, #tpu.memory_space<semaphore_mem>>) src(%arg9 : memref<16384xf32, #tpu.memory_space<vmem>>) dst(%dma_wait3A_114 : memref<16384xf32, #tpu.memory_space<hbm>>)
      } else {
      }
      %scan3A_76 = arith.constant 0 : i32
      %scan3A_77 = arith.constant 0 : i32
      %scan3A_78 = arith.constant 8 : i32
      %scan3A_79 = arith.addi %scan3A_77, %scan3A_78 : i32
      %scan3A_80 = arith.constant 1 : i32
      scf.for %scan3A_111 = %scan3A_77 to %scan3A_79 step %scan3A_80  : i32 {
        %mul3A_112 = arith.constant 128 : i32
        %mul3A_113 = arith.muli %add3A_70, %mul3A_112 : i32
        %mul3A_114 = arith.constant 16 : i32
        %mul3A_115 = arith.muli %scan3A_111, %mul3A_114 : i32
        %add3A_116 = arith.addi %mul3A_113, %mul3A_115 : i32
        %get3A = arith.index_cast %add3A_116 : i32 to index
        %get3A_117 = tpu.vector_load %arg6[%get3A] {strides = array<i32>} : memref<8192xi32, #tpu.memory_space<vmem>>, vector<16xi32>,
        %or3A = arith.constant 1 : i32
        %or3A_118 = vector.broadcast %or3A : i32 to vector<16xi32>
        %or3A_119 = arith.ori %get3A_117, %or3A_118 : vector<16xi32>
        %convert_element_type3A_120 = arith.sitofp %or3A_119 : vector<16xi32> to vector<16xf32>
        %bitcast_convert_type3A = tpu.bitcast %convert_element_type3A_120 : vector<16xf32> -> vector<16xi32>
        %shift_right_logical3A = arith.constant 16 : i32
        %shift_right_logical3A_121 = vector.broadcast %shift_right_logical3A : i32 to vector<16xi32>
        %shift_right_logical3A_122 = arith.shrui %bitcast_convert_type3A, %shift_right_logical3A_121 : vector<16xi32>
        %sub3A = arith.constant 16256 : i32
        %sub3A_123 = vector.broadcast %sub3A : i32 to vector<16xi32>
        %sub3A_124 = arith.subi %shift_right_logical3A_122, %sub3A_123 : vector<16xi32>
        %and3A = arith.constant -128 : i32
        %and3A_125 = vector.broadcast %and3A : i32 to vector<16xi32>
        %and3A_126 = arith.andi %sub3A_124, %and3A_125 : vector<16xi32>
        %mul3A_127 = arith.constant 2048 : i32
        %mul3A_128 = arith.muli %scan3A_111, %mul3A_127 : i32
        %add3A_129 = vector.broadcast %mul3A_128 : i32 to vector<16xi32>
        %add3A_130 = arith.addi %mul3A_5, %add3A_129 : vector<16xi32>
        %parallel_loop3A = arith.constant 0 : i32
        %parallel_loop3A_131 = arith.constant 128 : i32
        %parallel_loop3A_132 = arith.constant 1 : i32
        scf.for %parallel_loop3A_133 = %parallel_loop3A to %parallel_loop3A_131 step %parallel_loop3A_132  : i32 {
          %parallel_loop3A_134 = vector.broadcast %parallel_loop3A_133 : i32 to vector<16xi32>
          %parallel_loop3A_135 = arith.addi %iota3A, %parallel_loop3A_134 : vector<16xi32>
          %parallel_loop3A_136 = arith.constant 127 : i32
          %parallel_loop3A_137 = vector.broadcast %parallel_loop3A_136 : i32 to vector<16xi32>
          %parallel_loop3A_138 = arith.andi %parallel_loop3A_135, %parallel_loop3A_137 : vector<16xi32>
          %parallel_loop3A_139 = arith.addi %and3A_126, %parallel_loop3A_138 : vector<16xi32>
          %parallel_loop3A_140 = tpu.vector_load_idx %arg5[%parallel_loop3A_139] : memref<2048xf32, #tpu.memory_space<vmem>>[vector<16xi32>], vector<16xf32>,
          %parallel_loop3A_141 = arith.addi %add3A_130, %parallel_loop3A_138 : vector<16xi32>
          tpu.vector_store_idx %arg9[%parallel_loop3A_141], %parallel_loop3A_140 : memref<16384xf32, #tpu.memory_space<vmem>>[vector<16xi32>], vector<16xf32>,
        } {sc.loop_unroll_factor = 8 : i64, sc.parallel_access}
      }
      %scan3A_81 = arith.constant 8 : i32
      %mul3A_82 = arith.constant 128 : i32
      %mul3A_83 = arith.muli %add3A_70, %mul3A_82 : i32
      %add3A_84 = arith.addi %mul3A_2, %mul3A_83 : i32
      %mul3A_85 = arith.constant 128 : i32
      %mul3A_86 = arith.muli %add3A_84, %mul3A_85 : i32
      %dma_start3A_87 = tpu.memref_slice %arg4[%mul3A_86] : memref<33554432xf32, #tpu.memory_space<hbm>> -> memref<16384xf32, #tpu.memory_space<hbm>>
      %dma_start3A_88 = tpu.memref_slice %arg4[%mul3A_86] : memref<33554432xf32, #tpu.memory_space<hbm>> -> memref<16384xf32, #tpu.memory_space<hbm>>
      tpu.enqueue_dma source(%arg9 : memref<16384xf32, #tpu.memory_space<vmem>>) target(%dma_start3A_88 : memref<16384xf32, #tpu.memory_space<hbm>>) target_semaphore(%arg13 : memref<!tpu.dma_semaphore, #tpu.memory_space<semaphore_mem>>)
      %mul3A_89 = arith.constant 4 : i32
      %mul3A_90 = arith.muli %scan3A_26, %mul3A_89 : i32
      %add3A_91 = arith.constant 3 : i32
      %add3A_92 = arith.addi %mul3A_90, %add3A_91 : i32
      %gt3A_93 = arith.constant 0 : i32
      %gt3A_94 = arith.cmpi sgt, %scan3A_26, %gt3A_93 : i32
      %convert_element_type3A_95 = arith.extui %gt3A_94 : i1 to i32
      %cond3A_96 = arith.constant 0 : i32
      %cond3A_97 = arith.cmpi ne, %convert_element_type3A_95, %cond3A_96 : i32
      scf.if %cond3A_97 {
        %dma_wait3A_111 = arith.constant 0 : i32
        %dma_wait3A_112 = tpu.memref_slice %arg4[%dma_wait3A_111] : memref<33554432xf32, #tpu.memory_space<hbm>> -> memref<16384xf32, #tpu.memory_space<hbm>>
        %dma_wait3A_113 = arith.constant 0 : i32
        %dma_wait3A_114 = tpu.memref_slice %arg4[%dma_wait3A_113] : memref<33554432xf32, #tpu.memory_space<hbm>> -> memref<16384xf32, #tpu.memory_space<hbm>>
        tpu.wait_dma2 semaphore(%arg14 : memref<!tpu.dma_semaphore, #tpu.memory_space<semaphore_mem>>) src(%arg10 : memref<16384xf32, #tpu.memory_space<vmem>>) dst(%dma_wait3A_114 : memref<16384xf32, #tpu.memory_space<hbm>>)
      } else {
      }
      %scan3A_98 = arith.constant 0 : i32
      %scan3A_99 = arith.constant 0 : i32
      %scan3A_100 = arith.constant 8 : i32
      %scan3A_101 = arith.addi %scan3A_99, %scan3A_100 : i32
      %scan3A_102 = arith.constant 1 : i32
      scf.for %scan3A_111 = %scan3A_99 to %scan3A_101 step %scan3A_102  : i32 {
        %mul3A_112 = arith.constant 128 : i32
        %mul3A_113 = arith.muli %add3A_92, %mul3A_112 : i32
        %mul3A_114 = arith.constant 16 : i32
        %mul3A_115 = arith.muli %scan3A_111, %mul3A_114 : i32
        %add3A_116 = arith.addi %mul3A_113, %mul3A_115 : i32
        %get3A = arith.index_cast %add3A_116 : i32 to index
        %get3A_117 = tpu.vector_load %arg6[%get3A] {strides = array<i32>} : memref<8192xi32, #tpu.memory_space<vmem>>, vector<16xi32>,
        %or3A = arith.constant 1 : i32
        %or3A_118 = vector.broadcast %or3A : i32 to vector<16xi32>
        %or3A_119 = arith.ori %get3A_117, %or3A_118 : vector<16xi32>
        %convert_element_type3A_120 = arith.sitofp %or3A_119 : vector<16xi32> to vector<16xf32>
        %bitcast_convert_type3A = tpu.bitcast %convert_element_type3A_120 : vector<16xf32> -> vector<16xi32>
        %shift_right_logical3A = arith.constant 16 : i32
        %shift_right_logical3A_121 = vector.broadcast %shift_right_logical3A : i32 to vector<16xi32>
        %shift_right_logical3A_122 = arith.shrui %bitcast_convert_type3A, %shift_right_logical3A_121 : vector<16xi32>
        %sub3A = arith.constant 16256 : i32
        %sub3A_123 = vector.broadcast %sub3A : i32 to vector<16xi32>
        %sub3A_124 = arith.subi %shift_right_logical3A_122, %sub3A_123 : vector<16xi32>
        %and3A = arith.constant -128 : i32
        %and3A_125 = vector.broadcast %and3A : i32 to vector<16xi32>
        %and3A_126 = arith.andi %sub3A_124, %and3A_125 : vector<16xi32>
        %mul3A_127 = arith.constant 2048 : i32
        %mul3A_128 = arith.muli %scan3A_111, %mul3A_127 : i32
        %add3A_129 = vector.broadcast %mul3A_128 : i32 to vector<16xi32>
        %add3A_130 = arith.addi %mul3A_5, %add3A_129 : vector<16xi32>
        %parallel_loop3A = arith.constant 0 : i32
        %parallel_loop3A_131 = arith.constant 128 : i32
        %parallel_loop3A_132 = arith.constant 1 : i32
        scf.for %parallel_loop3A_133 = %parallel_loop3A to %parallel_loop3A_131 step %parallel_loop3A_132  : i32 {
          %parallel_loop3A_134 = vector.broadcast %parallel_loop3A_133 : i32 to vector<16xi32>
          %parallel_loop3A_135 = arith.addi %iota3A, %parallel_loop3A_134 : vector<16xi32>
          %parallel_loop3A_136 = arith.constant 127 : i32
          %parallel_loop3A_137 = vector.broadcast %parallel_loop3A_136 : i32 to vector<16xi32>
          %parallel_loop3A_138 = arith.andi %parallel_loop3A_135, %parallel_loop3A_137 : vector<16xi32>
          %parallel_loop3A_139 = arith.addi %and3A_126, %parallel_loop3A_138 : vector<16xi32>
          %parallel_loop3A_140 = tpu.vector_load_idx %arg5[%parallel_loop3A_139] : memref<2048xf32, #tpu.memory_space<vmem>>[vector<16xi32>], vector<16xf32>,
          %parallel_loop3A_141 = arith.addi %add3A_130, %parallel_loop3A_138 : vector<16xi32>
          tpu.vector_store_idx %arg10[%parallel_loop3A_141], %parallel_loop3A_140 : memref<16384xf32, #tpu.memory_space<vmem>>[vector<16xi32>], vector<16xf32>,
        } {sc.loop_unroll_factor = 8 : i64, sc.parallel_access}
      }
      %scan3A_103 = arith.constant 8 : i32
      %mul3A_104 = arith.constant 128 : i32
      %mul3A_105 = arith.muli %add3A_92, %mul3A_104 : i32
      %add3A_106 = arith.addi %mul3A_2, %mul3A_105 : i32
      %mul3A_107 = arith.constant 128 : i32
      %mul3A_108 = arith.muli %add3A_106, %mul3A_107 : i32
      %dma_start3A_109 = tpu.memref_slice %arg4[%mul3A_108] : memref<33554432xf32, #tpu.memory_space<hbm>> -> memref<16384xf32, #tpu.memory_space<hbm>>
      %dma_start3A_110 = tpu.memref_slice %arg4[%mul3A_108] : memref<33554432xf32, #tpu.memory_space<hbm>> -> memref<16384xf32, #tpu.memory_space<hbm>>
      tpu.enqueue_dma source(%arg10 : memref<16384xf32, #tpu.memory_space<vmem>>) target(%dma_start3A_110 : memref<16384xf32, #tpu.memory_space<hbm>>) target_semaphore(%arg14 : memref<!tpu.dma_semaphore, #tpu.memory_space<semaphore_mem>>)
    }
    %scan3A_10 = arith.constant 16 : i32
    %dma_wait3A = arith.constant 0 : i32
    %dma_wait3A_11 = tpu.memref_slice %arg4[%dma_wait3A] : memref<33554432xf32, #tpu.memory_space<hbm>> -> memref<16384xf32, #tpu.memory_space<hbm>>
    %dma_wait3A_12 = arith.constant 0 : i32
    %dma_wait3A_13 = tpu.memref_slice %arg4[%dma_wait3A_12] : memref<33554432xf32, #tpu.memory_space<hbm>> -> memref<16384xf32, #tpu.memory_space<hbm>>
    tpu.wait_dma2 semaphore(%arg11 : memref<!tpu.dma_semaphore, #tpu.memory_space<semaphore_mem>>) src(%arg7 : memref<16384xf32, #tpu.memory_space<vmem>>) dst(%dma_wait3A_13 : memref<16384xf32, #tpu.memory_space<hbm>>)
    %dma_wait3A_14 = arith.constant 0 : i32
    %dma_wait3A_15 = tpu.memref_slice %arg4[%dma_wait3A_14] : memref<33554432xf32, #tpu.memory_space<hbm>> -> memref<16384xf32, #tpu.memory_space<hbm>>
    %dma_wait3A_16 = arith.constant 0 : i32
    %dma_wait3A_17 = tpu.memref_slice %arg4[%dma_wait3A_16] : memref<33554432xf32, #tpu.memory_space<hbm>> -> memref<16384xf32, #tpu.memory_space<hbm>>
    tpu.wait_dma2 semaphore(%arg12 : memref<!tpu.dma_semaphore, #tpu.memory_space<semaphore_mem>>) src(%arg8 : memref<16384xf32, #tpu.memory_space<vmem>>) dst(%dma_wait3A_17 : memref<16384xf32, #tpu.memory_space<hbm>>)
    %dma_wait3A_18 = arith.constant 0 : i32
    %dma_wait3A_19 = tpu.memref_slice %arg4[%dma_wait3A_18] : memref<33554432xf32, #tpu.memory_space<hbm>> -> memref<16384xf32, #tpu.memory_space<hbm>>
    %dma_wait3A_20 = arith.constant 0 : i32
    %dma_wait3A_21 = tpu.memref_slice %arg4[%dma_wait3A_20] : memref<33554432xf32, #tpu.memory_space<hbm>> -> memref<16384xf32, #tpu.memory_space<hbm>>
    tpu.wait_dma2 semaphore(%arg13 : memref<!tpu.dma_semaphore, #tpu.memory_space<semaphore_mem>>) src(%arg9 : memref<16384xf32, #tpu.memory_space<vmem>>) dst(%dma_wait3A_21 : memref<16384xf32, #tpu.memory_space<hbm>>)
    %dma_wait3A_22 = arith.constant 0 : i32
    %dma_wait3A_23 = tpu.memref_slice %arg4[%dma_wait3A_22] : memref<33554432xf32, #tpu.memory_space<hbm>> -> memref<16384xf32, #tpu.memory_space<hbm>>
    %dma_wait3A_24 = arith.constant 0 : i32
    %dma_wait3A_25 = tpu.memref_slice %arg4[%dma_wait3A_24] : memref<33554432xf32, #tpu.memory_space<hbm>> -> memref<16384xf32, #tpu.memory_space<hbm>>
    tpu.wait_dma2 semaphore(%arg14 : memref<!tpu.dma_semaphore, #tpu.memory_space<semaphore_mem>>) src(%arg10 : memref<16384xf32, #tpu.memory_space<vmem>>) dst(%dma_wait3A_25 : memref<16384xf32, #tpu.memory_space<hbm>>)
    return
  }
}

</mosaic_0001>

<sc_bundles>
// kernel: _run.3.cloned.1.call-start
scs
__scs_entry_jumppad:
0x0: {  	(pc) =	sbr.rel $0x88, $3  }
0x1: {  	(tag) =	ssettag $0x0;
	lr =	simm.s32 $0x1  }
0x2: {  	[smem:$0x3F9F] =	sst lr;
	_ =	strace $0xD0000000  }
0x3: {  	_ = 	snop  }
0x4: {  	_ = 	snop  }
0x5: {  	_ = 	snop  }
0x6: {  	_ = 	snop  }
0x7: {  	_ = 	snop  }
__scs_overlays_trampoline_lowered:
0x8: {  	[smem:$0x3FAE] =	sst s0  }
0x9: {  	[smem:$0x3FAF] =	sst s1  }
0xa: {  	[smem:$0x3FB0] =	sst s2  }
0xb: {  	[smem:$0x3FB1] =	sst s3  }
0xc: {  	[smem:$0x3FB2] =	sst s4  }
0xd: {  	[smem:$0x3FB3] =	sst s5  }
0xe: {  	[smem:$0x3FB4] =	sst s6  }
0xf: {  	[smem:$0x3FB5] =	sst s7  }
0x10: {  	[smem:$0x3FB6] =	sst s8  }
0x11: {  	[smem:$0x3FB7] =	sst s9;
	s0 =	simm.s32 @!p0 $0x0  }
0x12: {  	s1 =	sld [smem:$0x3F9D];
	s0 =	simm.s32 @p0 $0x1  }
0x13: {  	[smem:$0x3FB8] =	sst s0;
	s0 =	simm.s32 @!p1 $0x0  }
0x14: {  	s2 =	sld [smem:$0x3F9C];
	s0 =	simm.s32 @p1 $0x1  }
0x15: {  	[smem:$0x3FB9] =	sst s0;
	s0 =	simm.s32 @!p2 $0x0  }
0x16: {  	s3 =	sld [smem:$0x3FDB];
	s0 =	simm.s32 @p2 $0x1  }
0x17: {  	s4 =	simm.s32 $0x1BF5;
	[smem:$0x3FBB] =	sst s0  }
0x18: {  	s0 =	sld [smem:$0x3F9E];
	_ =	swait.ge [sflag:s4], $0x0  }
0x19: {  	s7 =	sld [smem:$0x3F9F]  }
0x1a: {  	s8 =	sadd.s32 $0xFFFFE003, lr  }
0x1b: {  	s9 =	sadd.s32 $0xFFFFFEF7, lr;
	s5 =	simm.s32 $0xFFFFFFFF;
	p2 =	slt.u32 s8, $0xFFFFF086  }
0x1c: {  	p1 =	slt.u32 s9, $0xF7A;
	s5 =	simm.s32 @!p2 $0x0  }
0x1d: {  	s5 =	simm.s32 @p1 $0x1;
	p0 =	seq.s32 s7, s2  }
0x1e: {  	s7 =	smul.u32 @!p0 $0xF7A, s2;
	p2 =	seq.s32 @!p0 s5, $0x0  }
0x1f: {  	s9 =	smul.u32 $0xF7A, s1;
	s8 =	simm.s32 @!p0 $0x1BF5;
	p2 =	por !p2, p0  }
0x20: {  	[sflag:s8] =	ssyncset.s32 @!p0 $0xFFFFF086;
	s6 =	sadd.s32 @!p0 s3, s7;
	s7 =	simm.s32 @!p0 $0x108  }
0x21: {  	s3 =	sadd.s32 s3, s9;
	s6 =	sadd.s32 @!p0 $0x88, s6;
	s7 =	simm.s32 @p2 $0x1082  }
0x22: {  	[simem:s7], [sflag:s8] =	dma.local @!p0 [hbm:s6], $0xF7A  }
0x23: {  	s9 =	sor.u32 $0xD0000000, s2;
	s6 =	simm.s32 $0x108;
	_ =	swait.ge @!p0 [sflag:s8], $0x0  }
0x24: {  	s3 =	sadd.s32 $0x88, s3;
	s6 =	simm.s32 @!p1 $0x1082;
	[sflag:s4] =	ssyncset.s32 $0xFFFFF086  }
0x25: {  	[simem:s6], [sflag:s4] =	dma.local [hbm:s3], $0xF7A  }
0x26: {  	[smem:$0x3F9F] =	sst s1;
	(tag) =	ssettag s2;
	_ =	strace s9  }
0x27: {  	s1 =	sld [smem:$0x3FAF]  }
0x28: {  	s2 =	sld [smem:$0x3FB0]  }
0x29: {  	s4 =	sld [smem:$0x3FB2]  }
0x2a: {  	p0 =	seq.s32 s5, $0x0;
	s5 =	sld [smem:$0x3FB3]  }
0x2b: {  	s6 =	sld [smem:$0x3FB4]  }
0x2c: {  	s7 =	sld [smem:$0x3FB5]  }
0x2d: {  	s3 =	simm.s32 $0x108;
	s8 =	sld [smem:$0x3FB6]  }
0x2e: {  	s3 =	simm.s32 @!p0 $0x1082;
	s9 =	sld [smem:$0x3FB7]  }
0x2f: {  	lr =	sadd.s32 s0, s3;
	s0 =	sld [smem:$0x3FAE]  }
0x30: {  	s3 =	sld [smem:$0x3FB1]  }
0x31: {  	[smem:$0x3FBA] =	sst s10  }
0x32: {  	s10 =	sld [smem:$0x3FB8];
	_ =	sdelay $0x3  }
0x33: {  	p0 =	seq.s32 s10, $0x1;
	s10 =	sld [smem:$0x3FBA];
	_ =	sdelay $0x3  }
0x34: {  	[smem:$0x3FBA] =	sst s10  }
0x35: {  	s10 =	sld [smem:$0x3FB9];
	_ =	sdelay $0x3  }
0x36: {  	p1 =	seq.s32 s10, $0x1;
	s10 =	sld [smem:$0x3FBA];
	_ =	sdelay $0x3  }
0x37: {  	[smem:$0x3FBA] =	sst s10  }
0x38: {  	s10 =	sld [smem:$0x3FBB]  }
0x39: {  	_ = 	snop;
	(pc) =	sbr.ind lr, $3  }
0x3a: {  	_ = 	snop  }
0x3b: {  	_ = 	snop  }
0x3c: {  	p2 =	seq.s32 s10, $0x1;
	s10 =	sld [smem:$0x3FBA]  }
0x3d: {  	_ =	shalt  }
0x3e: {  	_ =	shalt  }
0x3f: {  	_ =	shalt  }
0x40: {  	_ =	shalt  }
0x41: {  	_ =	shalt  }
0x42: {  	_ =	shalt  }
0x43: {  	_ =	shalt  }
0x44: {  	_ =	shalt  }
0x45: {  	_ =	shalt  }
0x46: {  	_ =	shalt  }
0x47: {  	_ =	shalt  }
0x48: {  	_ =	shalt  }
0x49: {  	_ =	shalt  }
0x4a: {  	_ =	shalt  }
0x4b: {  	_ =	shalt  }
0x4c: {  	_ =	shalt  }
0x4d: {  	_ =	shalt  }
0x4e: {  	_ =	shalt  }
0x4f: {  	_ =	shalt  }
0x50: {  	_ =	shalt  }
0x51: {  	_ =	shalt  }
0x52: {  	_ =	shalt  }
0x53: {  	_ =	shalt  }
0x54: {  	_ =	shalt  }
0x55: {  	_ =	shalt  }
0x56: {  	_ =	shalt  }
0x57: {  	_ =	shalt  }
0x58: {  	_ =	shalt  }
0x59: {  	_ =	shalt  }
0x5a: {  	_ =	shalt  }
0x5b: {  	_ =	shalt  }
0x5c: {  	_ =	shalt  }
0x5d: {  	_ =	shalt  }
0x5e: {  	_ =	shalt  }
0x5f: {  	_ =	shalt  }
0x60: {  	_ =	shalt  }
0x61: {  	_ =	shalt  }
0x62: {  	_ =	shalt  }
0x63: {  	_ =	shalt  }
0x64: {  	_ =	shalt  }
0x65: {  	_ =	shalt  }
0x66: {  	_ =	shalt  }
0x67: {  	_ =	shalt  }
0x68: {  	_ =	shalt  }
0x69: {  	_ =	shalt  }
0x6a: {  	_ =	shalt  }
0x6b: {  	_ =	shalt  }
0x6c: {  	_ =	shalt  }
0x6d: {  	_ =	shalt  }
0x6e: {  	_ =	shalt  }
0x6f: {  	_ =	shalt  }
0x70: {  	_ =	shalt  }
0x71: {  	_ =	shalt  }
0x72: {  	_ =	shalt  }
0x73: {  	_ =	shalt  }
0x74: {  	_ =	shalt  }
0x75: {  	_ =	shalt  }
0x76: {  	_ =	shalt  }
0x77: {  	_ =	shalt  }
0x78: {  	_ =	shalt  }
0x79: {  	_ =	shalt  }
0x7a: {  	_ =	shalt  }
0x7b: {  	_ =	shalt  }
0x7c: {  	_ =	shalt  }
0x7d: {  	_ =	shalt  }
0x7e: {  	_ =	shalt  }
0x7f: {  	_ =	shalt  }
0x80: {  	_ =	shalt  }
0x81: {  	_ =	shalt  }
0x82: {  	_ =	shalt  }
0x83: {  	_ =	shalt  }
0x84: {  	_ =	shalt  }
0x85: {  	_ =	shalt  }
0x86: {  	_ =	shalt  }
0x87: {  	_ =	shalt  }
.Lfunc_end0:
.L_simem_size_0:
called_computation_lowered:
.L_overlay_start_0:
0x88: {  	s2 =	sld [smem:$0x3FD9]  }
0x89: {  	s3 =	sld [smem:$0x3FFE];
	_ =	sdelay $0x1  }
0x8a: {  	s1 =	srdreg.scid  }
0x8b: {  	s0 =	sand.u32 $0x1, s1  }
0x8c: {  	s18 =	sshll.u32 s0, $0xA;
	s2 =	sadd.s32 s3, s2  }
0x8d: {  	s2 =	sadd.s32 s2, s18  }
0x8e: {  	[smem:$0x3FC6] =	sst s2  }
0x8f: {  	_ = 	snop  }
0x90: {  	s2 =	sld [smem:$0x3FC9]  }
0x91: {  	s19 =	sld [smem:$0x3FC8]  }
0x92: {  	s4 =	sld [smem:$0x3FD0];
	(tm) =	ssettm $0x1  }
0x93: {  	s5 =	sld [smem:$0x3FFB];
	_ =	sdelay $0x3  }
0x94: {  	_ =	strace s5  }
0x95: {  	s5 =	sld [smem:$0x3FFC];
	_ =	sdelay $0x3  }
0x96: {  	_ =	strace s5  }
0x97: {  	s5 =	sld [smem:$0x3FFD];
	_ =	sdelay $0x3  }
0x98: {  	_ =	strace s5  }
0x99: {  	_ =	strace $0x8FFFFFFF  }
0x9a: {  	s20 =	sld [smem:$0x3FDB];
	_ =	sdelay $0x1  }
0x9b: {  	s6 =	simm.s32 $_scs_section_size  }
0x9c: {  	s7 =	simm.s32 $_size__tile_overlayer_lowered;
	s8 =	simm.s32 $_tile_overlayer_lowered  }
0x9d: {  	s23 =	simm.s32 $0x1BFF;
	s22 =	sshll.u32 s8, $0x1;
	s5 =	sadd.s32 s6, s20  }
0x9e: {  	s9 =	simm.s32 $0x0;
	s21 =	sshll.u32 s7, $0x1;
	s7 =	sadd.s32 s22, s5  }
0x9f: {  	[timem:s9], [sflag:s23] =	dma.local [hbm:s7], s21  }
0xa0: {  	_ =	swait.ge [sflag:s23], s21  }
0xa1: {  	s6 =	ssub.s32 $0x0, s21;
	[sflag:s23] =	ssyncset.done $0x0  }
0xa2: {  	[sflag:s23] =	ssyncadd.s32 s6;
	_ =	sdelay $0x1  }
0xa3: {  	s24 =	simm.s32 $0x1B8B  }
0xa4: {  	_ =	swait.ge [sflag:s24], $0x1  }
0xa5: {  	[sflag:s24] =	ssyncset.done $0x0  }
0xa6: {  	s25 =	simm.s32 $0x1B8E;
	[sflag:s24] =	ssyncadd.s32 $0xFFFFFFFF  }
0xa7: {  	s26 =	simm.s32 $execute0_lowered;
	[smem:$0x3FD2] =	sst s25  }
0xa8: {  	s6 =	sshll.u32 s26, $0x1;
	_ =	strace $0x80000046;
	[dreg:$0x1] =	wrdreg $0xFFFFFFFF  }
0xa9: {  	s28 =	simm.s32 $_size_execute0_lowered;
	s5 =	sadd.s32 s5, s6;
	[dreg:$0x0] =	wrdreg $0x0  }
0xaa: {  	s6 =	sshll.u32 s28, $0x1;
	[dreg:$0x2] =	wrdreg s5  }
0xab: {  	[dreg:$0x3] =	wrdreg s6  }
0xac: {  	[dreg:$0x4] =	wrdreg $0xC0  }
0xad: {  	_ =	task [dreg:s9], $0x5FFFF  }
0xae: {  	[dreg:$0x1] =	wrdreg $0xFFFFFFFF  }
0xaf: {  	[dreg:$0x0] =	wrdreg $0x60  }
0xb0: {  	[dreg:$0x2] =	wrdreg s2  }
0xb1: {  	[dreg:$0x3] =	wrdreg s19  }
0xb2: {  	[dreg:$0x4] =	wrdreg s4  }
0xb3: {  	[dreg:$0x5] =	wrdreg $0x9  }
0xb4: {  	_ =	task.clear_ibuf [dreg:s9], $0x6FFFF;
	_ =	strace $0x90000046  }
0xb5: {  	s29 =	simm.s32 $0x9;
	_ =	strace $0x80000048  }
0xb6: {  	_ =	swait.ge [sflag:s29], $0x1  }
0xb7: {  	[sflag:s29] =	ssyncadd.s32 $0xFFFFFFFF  }
0xb8: {  	_ =	strace $0x90000048  }
0xb9: {  	_ =	sfence  }
0xba: {  	s30 =	sld [smem:$0x0];
	_ =	sdelay $0x2  }
0xbb: {  	s31 =	sshll.u32 s1, $0xD;
	s1 =	sshrl.u32 s1, $0x2  }
0xbc: {  	s3 =	sand.u32 $0x4000, s31;
	s1 =	sadd.s32 s1, s30  }
0xbd: {  	s0 =	sor.u32 s3, s0;
	s1 =	sshll.u32 s1, $0x11  }
0xbe: {  	s0 =	sor.u32 s1, s0  }
0xbf: {  	s0 =	sadd.s32 $0x8F2B, s0  }
0xc0: {  	[sflag:s0] =	ssyncadd.remote.s32 $0x1  }
0xc1: {  	_ =	sfence.sel $0xFFFF  }
0xc2: {  	[dreg:$0x0] =	wrdreg $0xFFFFFFFF;
	(pc) =	sbr.abs _section_cstart, $3  }
0xc3: {  	[dreg:$0x1] =	wrdreg $0xFFFFFFFF  }
0xc4: {  	_ =	task.clear_ibuf [dreg:s9], $0x2FFFF;
	_ =	strace $0x9FFFFFFF  }
0xc5: {  	(tm) =	ssettm $0x7FFFFFFF  }
tec
execute0_lowered:
.L_overlay_start_1:
0x0: {  	(tag) =	ssettag $0x1  }
0x1: {  	s1 =	rddreg [dreg:$0x0]  }
0x2: {  	s4 =	rddreg [dreg:$0x1]  }
0x3: {  	s5 =	rddreg [dreg:$0x2]  }
0x4: {  	s0 =	rddreg [dreg:$0x3];
	s6 =	srdreg.scid  }
0x5: {  	s3 =	simm.s32 $0x0;
	s2 =	stileid.u32;
	s10 =	simm.s32 $0x6800  }
0x6: {  	s11 =	simm.s32 $0xA800;
	s12 =	simm.s32 $0xE800;
	s13 =	simm.s32 $0x1  }
0x7: {  	s14 =	simm.s32 $0x2;
	s15 =	simm.s32 $0x3;
	s16 =	simm.s32 $0x4  }
0x8: {  	s17 =	simm.s32 $0x0;
	s6 =	sand.u32 $0x1, s6;
	[smem:$0x7FF] =	sst s3  }
0x9: {  	s7 =	sshll.u32 s2, $0xE;
	s8 =	sshll.u32 s6, $0xD;
	s6 =	ssub.s32 $0x2, s6  }
0xa: {  	_ =	strace $0x80000047;
	s7 =	sor.u32 s8, s7;
	s31 =	sshrl.u32 s6, $0x1  }
0xb: {  	s8 =	simm.s32 $0x800;
	s9 =	sshrl.u32 s7, $0x3;
	s7 =	sshll.u32 s7, $0x4  }
0xc: {  	v0 =	vlaneseq.u32;
	s6 =	ssub.s32 s6, s31;
	s4 =	sadd.s32 s4, s9;
	s5 =	sadd.s32 s5, s7  }
0xd: {  	v1 =	vmul.u32 $0x80, v0;
	s6 =	smax.u32 s6, $0x1;
	s7 =	simm.s32 $0x5;
	s9 =	simm.s32 $0x2800  }
.LBB2_1:
0xe: {  	[tilespmem:s3], [sflag:$0x5] =	stream.linear.gather [hbm4b:s1+s3], $0x800, $0x38;
	[tilespmem:$0x12800] =	vst v63  }
0xf: {  	_ =	swait.ge [sflag:s7], $0x800  }
0x10: {  	[sflag:s7] =	ssyncset.done $0x0  }
0x11: {  	[sflag:s7] =	ssyncadd.s32 $0xFFFFF800  }
0x12: {  	[tilespmem:s8], [sflag:$0x5] =	stream.linear.gather [hbm4b:s4+s3], $0x2000, $0x38;
	[tilespmem:$0x12800] =	vst v63  }
0x13: {  	_ =	swait.ge [sflag:s7], $0x2000  }
0x14: {  	[sflag:s7] =	ssyncset.done $0x0  }
0x15: {  	s18 =	simm.s32 $0x0;
	[sflag:s7] =	ssyncadd.s32 $0xFFFFE000  }
.LBB2_2:
0x16: {  	p0 =	seq.s32 s18, $0x0  }
0x17: {  	s20 =	sshll.u32 s18, $0x9;
	s19 =	simm.s32 @!p0 $0x1  }
0x18: {  	s20 =	sand.u32 $0x3FFFFE00, s20;
	_ =	swait.ge @!p0 [sflag:s19], $0x4000  }
0x19: {  	s20 =	sadd.s32 $0x800, s20;
	[sflag:s19] =	ssyncset.done @!p0 $0x0  }
0x1a: {  	v2 =	vmov s20;
	s20 =	simm.s32 $0x0;
	[sflag:s19] =	ssyncadd.s32 @!p0 $0xFFFFC000;
	s19 =	simm.s32 $0x0  }
.LBB2_3:
0x1b: {  	_ =	sdelay $0x1  }
0x1c: {  	s21 =	sshll.u32 s20, $0x4  }
0x1d: {  	s21 =	sand.u32 $0x3FFFFFF0, s21  }
0x1e: {  	v3 =	vld.idx.msk [tilespmem:v2+s21+$0x0 ss:$0x1], $0xffff;
	_ =	sdelay $0x4  }
0x1f: {  	v3 =	vor.u32 $0x1, v3  }
0x20: {  	v3 =	vcvt.s32.f32 v3  }
0x21: {  	v4 =	vadd.s32 s19, v0;
	s28 =	simm.s32 $0x6  }
0x22: {  	s22 =	simm.s32 $0x5;
	s29 =	simm.s32 $0x4;
	v6 =	vand.u32 $0x7F, v4;
	v8 =	vadd.s32 s28, v0;
	v3 =	vshrl.u32 v3, $0x10  }
0x23: {  	s25 =	sshll.u32 s20, $0xB;
	s26 =	simm.s32 $0x7;
	v10 =	vadd.s32 s22, v0;
	v11 =	vadd.s32 s29, v0;
	v5 =	vand.u32 $0xFF80, v3  }
0x24: {  	v3 =	vor.u32 s25, v1;
	v4 =	vadd.s32 $0xFFFFC080, v5;
	v5 =	vadd.s32 s26, v0  }
0x25: {  	s30 =	simm.s32 $0x3;
	v7 =	vor.u32 v3, v6;
	v6 =	vor.u32 v4, v6;
	v5 =	vand.u32 $0x7F, v5  }
0x26: {  	s31 =	simm.s32 $0x2;
	v13 =	vadd.s32 s30, v0;
	v11 =	vand.u32 $0x7F, v11;
	v9 =	vor.u32 v4, v5  }
0x27: {  	v15 =	vadd.s32 s31, v0;
	v8 =	vand.u32 $0x7F, v8;
	v16 =	vor.u32 v4, v11  }
0x28: {  	v10 =	vand.u32 $0x7F, v10;
	v13 =	vand.u32 $0x7F, v13;
	v12 =	vor.u32 v4, v8  }
0x29: {  	s23 =	simm.s32 $0x1;
	v15 =	vand.u32 $0x7F, v15;
	v22 =	vor.u32 v3, v8;
	v14 =	vor.u32 v4, v10  }
0x2a: {  	v24 =	vor.u32 v3, v10;
	v18 =	vor.u32 v4, v13;
	v17 =	vld.idx.msk [tilespmem:v6+s3+$0x0], $0xffff;
	v6 =	vadd.s32 s23, v0  }
0x2b: {  	s24 =	simm.s32 $0x8;
	v21 =	vor.u32 v4, v15;
	v20 =	vor.u32 v3, v5;
	v19 =	vand.u32 $0x7F, v6;
	v9 =	vld.idx.msk [tilespmem:v9+s3+$0x0], $0xffff  }
0x2c: {  	s25 =	simm.s32 $0xF;
	v25 =	vor.u32 v3, v11;
	v16 =	vld.idx.msk [tilespmem:v16+s3+$0x0], $0xffff;
	v6 =	vadd.s32 s24, v0;
	v23 =	vor.u32 v4, v19  }
0x2d: {  	s28 =	simm.s32 $0xD;
	v27 =	vor.u32 v3, v13;
	v10 =	vadd.s32 s25, v0;
	v12 =	vld.idx.msk [tilespmem:v12+s3+$0x0], $0xffff;
	v6 =	vand.u32 $0x7F, v6  }
0x2e: {  	s26 =	simm.s32 $0xE;
	v11 =	vor.u32 v3, v15;
	v15 =	vadd.s32 s28, v0;
	v14 =	vld.idx.msk [tilespmem:v14+s3+$0x0], $0xffff;
	v5 =	vor.u32 v3, v6  }
0x2f: {  	v26 =	vld.idx.msk [tilespmem:v18+s3+$0x0], $0xffff;
	v8 =	vor.u32 v4, v6;
	v6 =	vand.u32 $0x7F, v10;
	v10 =	vadd.s32 s26, v0;
	[tilespmem:v7+s9+$0x0] =	vst.idx.msk $0xffff, v17  }
0x30: {  	[tilespmem:v20+s9+$0x0] =	vst.idx.msk $0xffff, v9;
	v9 =	vand.u32 $0x7F, v10;
	v10 =	vand.u32 $0x7F, v15;
	v15 =	vld.idx.msk [tilespmem:v21+s3+$0x0], $0xffff  }
0x31: {  	s29 =	simm.s32 $0xC;
	v13 =	vor.u32 v3, v19;
	v7 =	vor.u32 v4, v6;
	[tilespmem:v25+s9+$0x0] =	vst.idx.msk $0xffff, v16;
	v16 =	vld.idx.msk [tilespmem:v23+s3+$0x0], $0xffff  }
0x32: {  	s30 =	simm.s32 $0xB;
	[tilespmem:v22+s9+$0x0] =	vst.idx.msk $0xffff, v12;
	v12 =	vadd.s32 s29, v0;
	v17 =	vor.u32 v4, v9  }
0x33: {  	s31 =	simm.s32 $0xA;
	[tilespmem:v24+s9+$0x0] =	vst.idx.msk $0xffff, v14;
	v14 =	vadd.s32 s30, v0;
	v12 =	vand.u32 $0x7F, v12;
	v18 =	vor.u32 v4, v10  }
0x34: {  	s22 =	simm.s32 $0x9;
	s21 =	simm.s32 $0x10;
	[tilespmem:v27+s9+$0x0] =	vst.idx.msk $0xffff, v26;
	v20 =	vadd.s32 s31, v0;
	v14 =	vand.u32 $0x7F, v14;
	v19 =	vor.u32 v4, v12  }
.LBB2_4:
0x35: {  	p1 =	slt.u32 s21, $0x78;
	v21 =	vld.idx.msk [tilespmem:v8+s3+$0x0], $0xffff;
	v8 =	vadd.s32 s22, v0;
	v20 =	vand.u32 $0x7F, v20;
	v22 =	vor.u32 v4, v14;
	[tilespmem:v11+s9+$0x0] =	vst.idx.msk $0xffff, v15  }
0x36: {  	v23 =	vand.u32 $0x7F, v8;
	v11 =	vor.u32 v4, v20;
	v24 =	vld.idx.msk [tilespmem:v7+s3+$0x0], $0xffff;
	[tilespmem:v13+s9+$0x0] =	vst.idx.msk $0xffff, v16  }
0x37: {  	v25 =	vor.u32 v3, v6;
	v7 =	vadd.s32 s21, v0;
	v13 =	vor.u32 v4, v23;
	v17 =	vld.idx.msk [tilespmem:v17+s3+$0x0], $0xffff  }
0x38: {  	s22 =	sadd.s32 $0x7, s21;
	v26 =	vor.u32 v3, v9;
	v6 =	vand.u32 $0x7F, v7;
	v18 =	vld.idx.msk [tilespmem:v18+s3+$0x0], $0xffff  }
0x39: {  	v27 =	vor.u32 v3, v10;
	v7 =	vadd.s32 s22, v0;
	v9 =	vor.u32 v3, v6;
	v19 =	vld.idx.msk [tilespmem:v19+s3+$0x0], $0xffff  }
0x3a: {  	v28 =	vor.u32 v3, v12;
	v8 =	vor.u32 v4, v6;
	v6 =	vand.u32 $0x7F, v7;
	v22 =	vld.idx.msk [tilespmem:v22+s3+$0x0], $0xffff  }
0x3b: {  	s22 =	sadd.s32 $0x6, s21;
	v7 =	vor.u32 v4, v6;
	[tilespmem:v5+s9+$0x0] =	vst.idx.msk $0xffff, v21;
	v15 =	vld.idx.msk [tilespmem:v11+s3+$0x0], $0xffff;
	v21 =	vor.u32 v3, v14  }
.Ltmp0:
0x3c: {  	s23 =	sadd.s32 $0x5, s21;
	v10 =	vadd.s32 s22, v0;
	v11 =	vor.u32 v3, v20;
	v5 =	vmov v9;
	v16 =	vld.idx.msk [tilespmem:v13+s3+$0x0], $0xffff;
	[tilespmem:v25+s9+$0x0] =	vst.idx.msk $0xffff, v24;
	(pc) =	sbr.rel @p1 .LBB2_4-.Ltmp0, $4  }
0x3d: {  	v12 =	vadd.s32 s23, v0;
	s22 =	sadd.s32 $0x4, s21;
	v9 =	vand.u32 $0x7F, v10;
	v13 =	vor.u32 v3, v23;
	[tilespmem:v26+s9+$0x0] =	vst.idx.msk $0xffff, v17  }
0x3e: {  	s23 =	sadd.s32 $0x3, s21;
	v14 =	vadd.s32 s22, v0;
	v10 =	vand.u32 $0x7F, v12;
	v17 =	vor.u32 v4, v9;
	[tilespmem:v27+s9+$0x0] =	vst.idx.msk $0xffff, v18  }
0x3f: {  	s24 =	sadd.s32 $0x2, s21;
	v23 =	vadd.s32 s23, v0;
	v12 =	vand.u32 $0x7F, v14;
	v18 =	vor.u32 v4, v10;
	[tilespmem:v28+s9+$0x0] =	vst.idx.msk $0xffff, v19  }
0x40: {  	s22 =	sadd.s32 $0x1, s21;
	v20 =	vadd.s32 s24, v0;
	s21 =	sadd.s32 $0x8, s21;
	v14 =	vand.u32 $0x7F, v23;
	v19 =	vor.u32 v4, v12;
	[tilespmem:v21+s9+$0x0] =	vst.idx.msk $0xffff, v22  }
0x41: {  	_ =	sdelay $0x3  }
0x42: {  	v8 =	vld.idx.msk [tilespmem:v8+s3+$0x0], $0xffff;
	v21 =	vadd.s32 s22, v0;
	v20 =	vand.u32 $0x7F, v20;
	v22 =	vor.u32 v4, v14  }
0x43: {  	v7 =	vld.idx.msk [tilespmem:v7+s3+$0x0], $0xffff;
	v6 =	vor.u32 v3, v6;
	v21 =	vand.u32 $0x7F, v21;
	v23 =	vor.u32 v4, v20  }
0x44: {  	v17 =	vld.idx.msk [tilespmem:v17+s3+$0x0], $0xffff;
	v9 =	vor.u32 v3, v9;
	v57 =	vor.u32 v4, v21  }
0x45: {  	[tilespmem:v11+s9+$0x0] =	vst.idx.msk $0xffff, v15;
	v58 =	vld.idx.msk [tilespmem:v18+s3+$0x0], $0xffff;
	v10 =	vor.u32 v3, v10  }
0x46: {  	[tilespmem:v13+s9+$0x0] =	vst.idx.msk $0xffff, v16;
	v59 =	vld.idx.msk [tilespmem:v19+s3+$0x0], $0xffff;
	v12 =	vor.u32 v3, v12  }
0x47: {  	v61 =	vor.u32 v3, v14;
	v60 =	vld.idx.msk [tilespmem:v22+s3+$0x0], $0xffff;
	[tilespmem:v5+s9+$0x0] =	vst.idx.msk $0xffff, v8  }
0x48: {  	s20 =	sadd.s32 $0x1, s20;
	v63 =	vor.u32 v3, v20;
	[tilespmem:v6+s9+$0x0] =	vst.idx.msk $0xffff, v7;
	v62 =	vld.idx.msk [tilespmem:v23+s3+$0x0], $0xffff  }
0x49: {  	p1 =	sne.s32 s20, $0x8;
	v3 =	vor.u32 v3, v21;
	[tilespmem:v9+s9+$0x0] =	vst.idx.msk $0xffff, v17;
	v4 =	vld.idx.msk [tilespmem:v57+s3+$0x0], $0xffff  }
.Ltmp1:
0x4a: {  	[tilespmem:v10+s9+$0x0] =	vst.idx.msk $0xffff, v58;
	(pc) =	sbr.rel @p1 .LBB2_3-.Ltmp1, $4  }
0x4b: {  	[tilespmem:v12+s9+$0x0] =	vst.idx.msk $0xffff, v59  }
0x4c: {  	[tilespmem:v61+s9+$0x0] =	vst.idx.msk $0xffff, v60  }
0x4d: {  	[tilespmem:v63+s9+$0x0] =	vst.idx.msk $0xffff, v62  }
0x4e: {  	[tilespmem:v3+s9+$0x0] =	vst.idx.msk $0xffff, v4  }
0x4f: {  	s19 =	sshll.u32 s18, $0xD  }
0x50: {  	s19 =	sadd.s32 s19, s5  }
0x51: {  	[hbm4b:s19+s3] =	stream.linear.scatter [tilespmem:s9], [sflag:$0x1], $0x4000, $0x38;
	[tilespmem:$0x12800] =	vst v63  }
0x52: {  	s19 =	sshll.u32 s18, $0x2  }
0x53: {  	s20 =	sor.u32 $0x1, s19  }
0x54: {  	s21 =	simm.s32 @!p0 $0x2;
	s22 =	sshll.u32 s20, $0x7  }
0x55: {  	_ =	swait.ge @!p0 [sflag:s21], $0x4000;
	s22 =	sand.u32 $0x3FFFFF80, s22  }
0x56: {  	[sflag:s21] =	ssyncset.done @!p0 $0x0;
	s22 =	sadd.s32 $0x800, s22  }
0x57: {  	[sflag:s21] =	ssyncadd.s32 @!p0 $0xFFFFC000;
	s21 =	simm.s32 $0x0;
	v2 =	vmov s22;
	s22 =	simm.s32 $0x0  }
.LBB2_7:
0x58: {  	_ =	sdelay $0x1  }
0x59: {  	s23 =	sshll.u32 s22, $0x4  }
0x5a: {  	s23 =	sand.u32 $0x3FFFFFF0, s23  }
0x5b: {  	v3 =	vld.idx.msk [tilespmem:v2+s23+$0x0 ss:$0x1], $0xffff;
	_ =	sdelay $0x4  }
0x5c: {  	v3 =	vor.u32 $0x1, v3  }
0x5d: {  	v3 =	vcvt.s32.f32 v3  }
0x5e: {  	v4 =	vadd.s32 s21, v0;
	s25 =	simm.s32 $0x6  }
0x5f: {  	s26 =	simm.s32 $0x4;
	s28 =	simm.s32 $0x3;
	v6 =	vand.u32 $0x7F, v4;
	v8 =	vadd.s32 s25, v0;
	v3 =	vshrl.u32 v3, $0x10  }
0x60: {  	s31 =	sshll.u32 s22, $0xB;
	s24 =	simm.s32 $0x7;
	v11 =	vadd.s32 s26, v0;
	v13 =	vadd.s32 s28, v0;
	v5 =	vand.u32 $0xFF80, v3  }
0x61: {  	v3 =	vor.u32 s31, v1;
	v4 =	vadd.s32 $0xFFFFC080, v5;
	v5 =	vadd.s32 s24, v0  }
0x62: {  	s29 =	simm.s32 $0x2;
	v7 =	vor.u32 v3, v6;
	v6 =	vor.u32 v4, v6;
	v5 =	vand.u32 $0x7F, v5  }
0x63: {  	v15 =	vadd.s32 s29, v0;
	v11 =	vand.u32 $0x7F, v11;
	s24 =	simm.s32 $0x5;
	v9 =	vor.u32 v4, v5  }
0x64: {  	v8 =	vand.u32 $0x7F, v8;
	v10 =	vadd.s32 s24, v0;
	v16 =	vor.u32 v4, v11  }
0x65: {  	v13 =	vand.u32 $0x7F, v13;
	v12 =	vor.u32 v4, v8;
	v10 =	vand.u32 $0x7F, v10  }
0x66: {  	s30 =	simm.s32 $0x1;
	v15 =	vand.u32 $0x7F, v15;
	v22 =	vor.u32 v3, v8;
	v14 =	vor.u32 v4, v10  }
0x67: {  	v25 =	vor.u32 v3, v11;
	v18 =	vor.u32 v4, v13;
	v17 =	vld.idx.msk [tilespmem:v6+s3+$0x0], $0xffff;
	v6 =	vadd.s32 s30, v0  }
0x68: {  	s31 =	simm.s32 $0x8;
	v21 =	vor.u32 v4, v15;
	v20 =	vor.u32 v3, v5;
	v19 =	vand.u32 $0x7F, v6;
	v9 =	vld.idx.msk [tilespmem:v9+s3+$0x0], $0xffff  }
0x69: {  	s28 =	simm.s32 $0xD;
	v27 =	vor.u32 v3, v13;
	v16 =	vld.idx.msk [tilespmem:v16+s3+$0x0], $0xffff;
	v6 =	vadd.s32 s31, v0;
	v23 =	vor.u32 v4, v19  }
0x6a: {  	s25 =	simm.s32 $0xF;
	v11 =	vor.u32 v3, v15;
	v15 =	vadd.s32 s28, v0;
	v12 =	vld.idx.msk [tilespmem:v12+s3+$0x0], $0xffff;
	v6 =	vand.u32 $0x7F, v6  }
0x6b: {  	s26 =	simm.s32 $0xE;
	v24 =	vor.u32 v3, v10;
	v10 =	vadd.s32 s25, v0;
	v14 =	vld.idx.msk [tilespmem:v14+s3+$0x0], $0xffff;
	v5 =	vor.u32 v3, v6  }
0x6c: {  	v26 =	vld.idx.msk [tilespmem:v18+s3+$0x0], $0xffff;
	v8 =	vor.u32 v4, v6;
	v6 =	vand.u32 $0x7F, v10;
	v10 =	vadd.s32 s26, v0;
	[tilespmem:v7+s10+$0x0] =	vst.idx.msk $0xffff, v17  }
0x6d: {  	[tilespmem:v20+s10+$0x0] =	vst.idx.msk $0xffff, v9;
	v9 =	vand.u32 $0x7F, v10;
	v10 =	vand.u32 $0x7F, v15;
	v15 =	vld.idx.msk [tilespmem:v21+s3+$0x0], $0xffff  }
0x6e: {  	s29 =	simm.s32 $0xC;
	v13 =	vor.u32 v3, v19;
	v7 =	vor.u32 v4, v6;
	[tilespmem:v25+s10+$0x0] =	vst.idx.msk $0xffff, v16;
	v16 =	vld.idx.msk [tilespmem:v23+s3+$0x0], $0xffff  }
0x6f: {  	s30 =	simm.s32 $0xB;
	[tilespmem:v22+s10+$0x0] =	vst.idx.msk $0xffff, v12;
	v12 =	vadd.s32 s29, v0;
	v17 =	vor.u32 v4, v9  }
0x70: {  	s31 =	simm.s32 $0xA;
	v12 =	vand.u32 $0x7F, v12;
	[tilespmem:v24+s10+$0x0] =	vst.idx.msk $0xffff, v14;
	v14 =	vadd.s32 s30, v0;
	v18 =	vor.u32 v4, v10  }
0x71: {  	s23 =	simm.s32 $0x10;
	s24 =	simm.s32 $0x9;
	[tilespmem:v27+s10+$0x0] =	vst.idx.msk $0xffff, v26;
	v20 =	vadd.s32 s31, v0;
	v19 =	vor.u32 v4, v12;
	v14 =	vand.u32 $0x7F, v14  }
.LBB2_8:
0x72: {  	p1 =	slt.u32 s23, $0x78;
	v21 =	vld.idx.msk [tilespmem:v8+s3+$0x0], $0xffff;
	v8 =	vadd.s32 s24, v0;
	v20 =	vand.u32 $0x7F, v20;
	v22 =	vor.u32 v4, v14;
	[tilespmem:v11+s10+$0x0] =	vst.idx.msk $0xffff, v15  }
0x73: {  	v23 =	vand.u32 $0x7F, v8;
	v11 =	vor.u32 v4, v20;
	v24 =	vld.idx.msk [tilespmem:v7+s3+$0x0], $0xffff;
	[tilespmem:v13+s10+$0x0] =	vst.idx.msk $0xffff, v16  }
0x74: {  	v25 =	vor.u32 v3, v6;
	v7 =	vadd.s32 s23, v0;
	v13 =	vor.u32 v4, v23;
	v17 =	vld.idx.msk [tilespmem:v17+s3+$0x0], $0xffff  }
0x75: {  	s24 =	sadd.s32 $0x7, s23;
	v26 =	vor.u32 v3, v9;
	v6 =	vand.u32 $0x7F, v7;
	v18 =	vld.idx.msk [tilespmem:v18+s3+$0x0], $0xffff  }
0x76: {  	v27 =	vor.u32 v3, v10;
	v7 =	vadd.s32 s24, v0;
	v9 =	vor.u32 v3, v6;
	v19 =	vld.idx.msk [tilespmem:v19+s3+$0x0], $0xffff  }
0x77: {  	v28 =	vor.u32 v3, v12;
	v8 =	vor.u32 v4, v6;
	v6 =	vand.u32 $0x7F, v7;
	v22 =	vld.idx.msk [tilespmem:v22+s3+$0x0], $0xffff  }
0x78: {  	s24 =	sadd.s32 $0x6, s23;
	v7 =	vor.u32 v4, v6;
	[tilespmem:v5+s10+$0x0] =	vst.idx.msk $0xffff, v21;
	v15 =	vld.idx.msk [tilespmem:v11+s3+$0x0], $0xffff;
	v21 =	vor.u32 v3, v14  }
.Ltmp2:
0x79: {  	s25 =	sadd.s32 $0x5, s23;
	v10 =	vadd.s32 s24, v0;
	v11 =	vor.u32 v3, v20;
	v5 =	vmov v9;
	v16 =	vld.idx.msk [tilespmem:v13+s3+$0x0], $0xffff;
	[tilespmem:v25+s10+$0x0] =	vst.idx.msk $0xffff, v24;
	(pc) =	sbr.rel @p1 .LBB2_8-.Ltmp2, $4  }
0x7a: {  	v12 =	vadd.s32 s25, v0;
	s24 =	sadd.s32 $0x4, s23;
	v9 =	vand.u32 $0x7F, v10;
	v13 =	vor.u32 v3, v23;
	[tilespmem:v26+s10+$0x0] =	vst.idx.msk $0xffff, v17  }
0x7b: {  	s25 =	sadd.s32 $0x3, s23;
	v14 =	vadd.s32 s24, v0;
	v10 =	vand.u32 $0x7F, v12;
	v17 =	vor.u32 v4, v9;
	[tilespmem:v27+s10+$0x0] =	vst.idx.msk $0xffff, v18  }
0x7c: {  	s26 =	sadd.s32 $0x2, s23;
	v23 =	vadd.s32 s25, v0;
	v12 =	vand.u32 $0x7F, v14;
	v18 =	vor.u32 v4, v10;
	[tilespmem:v28+s10+$0x0] =	vst.idx.msk $0xffff, v19  }
0x7d: {  	s24 =	sadd.s32 $0x1, s23;
	v20 =	vadd.s32 s26, v0;
	s23 =	sadd.s32 $0x8, s23;
	v14 =	vand.u32 $0x7F, v23;
	v19 =	vor.u32 v4, v12;
	[tilespmem:v21+s10+$0x0] =	vst.idx.msk $0xffff, v22  }
0x7e: {  	_ =	sdelay $0x3  }
0x7f: {  	v8 =	vld.idx.msk [tilespmem:v8+s3+$0x0], $0xffff;
	v21 =	vadd.s32 s24, v0;
	v20 =	vand.u32 $0x7F, v20;
	v22 =	vor.u32 v4, v14  }
0x80: {  	v7 =	vld.idx.msk [tilespmem:v7+s3+$0x0], $0xffff;
	v6 =	vor.u32 v3, v6;
	v21 =	vand.u32 $0x7F, v21;
	v23 =	vor.u32 v4, v20  }
0x81: {  	v17 =	vld.idx.msk [tilespmem:v17+s3+$0x0], $0xffff;
	v9 =	vor.u32 v3, v9;
	v57 =	vor.u32 v4, v21  }
0x82: {  	[tilespmem:v11+s10+$0x0] =	vst.idx.msk $0xffff, v15;
	v58 =	vld.idx.msk [tilespmem:v18+s3+$0x0], $0xffff;
	v10 =	vor.u32 v3, v10  }
0x83: {  	[tilespmem:v13+s10+$0x0] =	vst.idx.msk $0xffff, v16;
	v59 =	vld.idx.msk [tilespmem:v19+s3+$0x0], $0xffff;
	v12 =	vor.u32 v3, v12  }
0x84: {  	v61 =	vor.u32 v3, v14;
	v60 =	vld.idx.msk [tilespmem:v22+s3+$0x0], $0xffff;
	[tilespmem:v5+s10+$0x0] =	vst.idx.msk $0xffff, v8  }
0x85: {  	s22 =	sadd.s32 $0x1, s22;
	v63 =	vor.u32 v3, v20;
	[tilespmem:v6+s10+$0x0] =	vst.idx.msk $0xffff, v7;
	v62 =	vld.idx.msk [tilespmem:v23+s3+$0x0], $0xffff  }
0x86: {  	p1 =	sne.s32 s22, $0x8;
	v3 =	vor.u32 v3, v21;
	[tilespmem:v9+s10+$0x0] =	vst.idx.msk $0xffff, v17;
	v4 =	vld.idx.msk [tilespmem:v57+s3+$0x0], $0xffff  }
.Ltmp3:
0x87: {  	[tilespmem:v10+s10+$0x0] =	vst.idx.msk $0xffff, v58;
	(pc) =	sbr.rel @p1 .LBB2_7-.Ltmp3, $4  }
0x88: {  	[tilespmem:v12+s10+$0x0] =	vst.idx.msk $0xffff, v59  }
0x89: {  	[tilespmem:v61+s10+$0x0] =	vst.idx.msk $0xffff, v60  }
0x8a: {  	[tilespmem:v63+s10+$0x0] =	vst.idx.msk $0xffff, v62  }
0x8b: {  	[tilespmem:v3+s10+$0x0] =	vst.idx.msk $0xffff, v4  }
0x8c: {  	s20 =	sshll.u32 s20, $0xB  }
0x8d: {  	s20 =	sadd.s32 s20, s5  }
0x8e: {  	[hbm4b:s20+s3] =	stream.linear.scatter [tilespmem:s10], [sflag:$0x2], $0x4000, $0x38;
	[tilespmem:$0x12800] =	vst v63  }
0x8f: {  	s20 =	sor.u32 $0x2, s19  }
0x90: {  	s21 =	simm.s32 @!p0 $0x3;
	s22 =	sshll.u32 s20, $0x7  }
0x91: {  	_ =	swait.ge @!p0 [sflag:s21], $0x4000;
	s22 =	sand.u32 $0x3FFFFF80, s22  }
0x92: {  	[sflag:s21] =	ssyncset.done @!p0 $0x0;
	s22 =	sadd.s32 $0x800, s22  }
0x93: {  	[sflag:s21] =	ssyncadd.s32 @!p0 $0xFFFFC000;
	s21 =	simm.s32 $0x0;
	v2 =	vmov s22;
	s22 =	simm.s32 $0x0  }
.LBB2_11:
0x94: {  	_ =	sdelay $0x1  }
0x95: {  	s23 =	sshll.u32 s22, $0x4  }
0x96: {  	s23 =	sand.u32 $0x3FFFFFF0, s23  }
0x97: {  	v3 =	vld.idx.msk [tilespmem:v2+s23+$0x0 ss:$0x1], $0xffff;
	_ =	sdelay $0x4  }
0x98: {  	v3 =	vor.u32 $0x1, v3  }
0x99: {  	v3 =	vcvt.s32.f32 v3  }
0x9a: {  	v4 =	vadd.s32 s21, v0;
	s25 =	simm.s32 $0x6  }
0x9b: {  	s26 =	simm.s32 $0x4;
	s28 =	simm.s32 $0x3;
	v6 =	vand.u32 $0x7F, v4;
	v8 =	vadd.s32 s25, v0;
	v3 =	vshrl.u32 v3, $0x10  }
0x9c: {  	s31 =	sshll.u32 s22, $0xB;
	s24 =	simm.s32 $0x7;
	v11 =	vadd.s32 s26, v0;
	v13 =	vadd.s32 s28, v0;
	v5 =	vand.u32 $0xFF80, v3  }
0x9d: {  	v3 =	vor.u32 s31, v1;
	v4 =	vadd.s32 $0xFFFFC080, v5;
	v5 =	vadd.s32 s24, v0  }
0x9e: {  	s29 =	simm.s32 $0x2;
	v7 =	vor.u32 v3, v6;
	v6 =	vor.u32 v4, v6;
	v5 =	vand.u32 $0x7F, v5  }
0x9f: {  	v15 =	vadd.s32 s29, v0;
	v11 =	vand.u32 $0x7F, v11;
	s24 =	simm.s32 $0x5;
	v9 =	vor.u32 v4, v5  }
0xa0: {  	v8 =	vand.u32 $0x7F, v8;
	v10 =	vadd.s32 s24, v0;
	v16 =	vor.u32 v4, v11  }
0xa1: {  	v13 =	vand.u32 $0x7F, v13;
	v12 =	vor.u32 v4, v8;
	v10 =	vand.u32 $0x7F, v10  }
0xa2: {  	s30 =	simm.s32 $0x1;
	v15 =	vand.u32 $0x7F, v15;
	v22 =	vor.u32 v3, v8;
	v14 =	vor.u32 v4, v10  }
0xa3: {  	v25 =	vor.u32 v3, v11;
	v18 =	vor.u32 v4, v13;
	v17 =	vld.idx.msk [tilespmem:v6+s3+$0x0], $0xffff;
	v6 =	vadd.s32 s30, v0  }
0xa4: {  	s31 =	simm.s32 $0x8;
	v21 =	vor.u32 v4, v15;
	v20 =	vor.u32 v3, v5;
	v19 =	vand.u32 $0x7F, v6;
	v9 =	vld.idx.msk [tilespmem:v9+s3+$0x0], $0xffff  }
0xa5: {  	s28 =	simm.s32 $0xD;
	v27 =	vor.u32 v3, v13;
	v16 =	vld.idx.msk [tilespmem:v16+s3+$0x0], $0xffff;
	v6 =	vadd.s32 s31, v0;
	v23 =	vor.u32 v4, v19  }
0xa6: {  	s25 =	simm.s32 $0xF;
	v11 =	vor.u32 v3, v15;
	v15 =	vadd.s32 s28, v0;
	v12 =	vld.idx.msk [tilespmem:v12+s3+$0x0], $0xffff;
	v6 =	vand.u32 $0x7F, v6  }
0xa7: {  	s26 =	simm.s32 $0xE;
	v24 =	vor.u32 v3, v10;
	v10 =	vadd.s32 s25, v0;
	v14 =	vld.idx.msk [tilespmem:v14+s3+$0x0], $0xffff;
	v5 =	vor.u32 v3, v6  }
0xa8: {  	v26 =	vld.idx.msk [tilespmem:v18+s3+$0x0], $0xffff;
	v8 =	vor.u32 v4, v6;
	v6 =	vand.u32 $0x7F, v10;
	v10 =	vadd.s32 s26, v0;
	[tilespmem:v7+s11+$0x0] =	vst.idx.msk $0xffff, v17  }
0xa9: {  	[tilespmem:v20+s11+$0x0] =	vst.idx.msk $0xffff, v9;
	v9 =	vand.u32 $0x7F, v10;
	v10 =	vand.u32 $0x7F, v15;
	v15 =	vld.idx.msk [tilespmem:v21+s3+$0x0], $0xffff  }
0xaa: {  	s29 =	simm.s32 $0xC;
	v13 =	vor.u32 v3, v19;
	v7 =	vor.u32 v4, v6;
	[tilespmem:v25+s11+$0x0] =	vst.idx.msk $0xffff, v16;
	v16 =	vld.idx.msk [tilespmem:v23+s3+$0x0], $0xffff  }
0xab: {  	s30 =	simm.s32 $0xB;
	[tilespmem:v22+s11+$0x0] =	vst.idx.msk $0xffff, v12;
	v12 =	vadd.s32 s29, v0;
	v17 =	vor.u32 v4, v9  }
0xac: {  	s31 =	simm.s32 $0xA;
	v12 =	vand.u32 $0x7F, v12;
	[tilespmem:v24+s11+$0x0] =	vst.idx.msk $0xffff, v14;
	v14 =	vadd.s32 s30, v0;
	v18 =	vor.u32 v4, v10  }
0xad: {  	s23 =	simm.s32 $0x10;
	s24 =	simm.s32 $0x9;
	[tilespmem:v27+s11+$0x0] =	vst.idx.msk $0xffff, v26;
	v20 =	vadd.s32 s31, v0;
	v19 =	vor.u32 v4, v12;
	v14 =	vand.u32 $0x7F, v14  }
.LBB2_12:
0xae: {  	p1 =	slt.u32 s23, $0x78;
	v21 =	vld.idx.msk [tilespmem:v8+s3+$0x0], $0xffff;
	v8 =	vadd.s32 s24, v0;
	v20 =	vand.u32 $0x7F, v20;
	v22 =	vor.u32 v4, v14;
	[tilespmem:v11+s11+$0x0] =	vst.idx.msk $0xffff, v15  }
0xaf: {  	v23 =	vand.u32 $0x7F, v8;
	v11 =	vor.u32 v4, v20;
	v24 =	vld.idx.msk [tilespmem:v7+s3+$0x0], $0xffff;
	[tilespmem:v13+s11+$0x0] =	vst.idx.msk $0xffff, v16  }
0xb0: {  	v25 =	vor.u32 v3, v6;
	v7 =	vadd.s32 s23, v0;
	v13 =	vor.u32 v4, v23;
	v17 =	vld.idx.msk [tilespmem:v17+s3+$0x0], $0xffff  }
0xb1: {  	s24 =	sadd.s32 $0x7, s23;
	v26 =	vor.u32 v3, v9;
	v6 =	vand.u32 $0x7F, v7;
	v18 =	vld.idx.msk [tilespmem:v18+s3+$0x0], $0xffff  }
0xb2: {  	v27 =	vor.u32 v3, v10;
	v7 =	vadd.s32 s24, v0;
	v9 =	vor.u32 v3, v6;
	v19 =	vld.idx.msk [tilespmem:v19+s3+$0x0], $0xffff  }
0xb3: {  	v28 =	vor.u32 v3, v12;
	v8 =	vor.u32 v4, v6;
	v6 =	vand.u32 $0x7F, v7;
	v22 =	vld.idx.msk [tilespmem:v22+s3+$0x0], $0xffff  }
0xb4: {  	s24 =	sadd.s32 $0x6, s23;
	v7 =	vor.u32 v4, v6;
	[tilespmem:v5+s11+$0x0] =	vst.idx.msk $0xffff, v21;
	v15 =	vld.idx.msk [tilespmem:v11+s3+$0x0], $0xffff;
	v21 =	vor.u32 v3, v14  }
.Ltmp4:
0xb5: {  	s25 =	sadd.s32 $0x5, s23;
	v10 =	vadd.s32 s24, v0;
	v11 =	vor.u32 v3, v20;
	v5 =	vmov v9;
	v16 =	vld.idx.msk [tilespmem:v13+s3+$0x0], $0xffff;
	[tilespmem:v25+s11+$0x0] =	vst.idx.msk $0xffff, v24;
	(pc) =	sbr.rel @p1 .LBB2_12-.Ltmp4, $4  }
0xb6: {  	v12 =	vadd.s32 s25, v0;
	s24 =	sadd.s32 $0x4, s23;
	v9 =	vand.u32 $0x7F, v10;
	v13 =	vor.u32 v3, v23;
	[tilespmem:v26+s11+$0x0] =	vst.idx.msk $0xffff, v17  }
0xb7: {  	s25 =	sadd.s32 $0x3, s23;
	v14 =	vadd.s32 s24, v0;
	v10 =	vand.u32 $0x7F, v12;
	v17 =	vor.u32 v4, v9;
	[tilespmem:v27+s11+$0x0] =	vst.idx.msk $0xffff, v18  }
0xb8: {  	s26 =	sadd.s32 $0x2, s23;
	v23 =	vadd.s32 s25, v0;
	v12 =	vand.u32 $0x7F, v14;
	v18 =	vor.u32 v4, v10;
	[tilespmem:v28+s11+$0x0] =	vst.idx.msk $0xffff, v19  }
0xb9: {  	s24 =	sadd.s32 $0x1, s23;
	v20 =	vadd.s32 s26, v0;
	s23 =	sadd.s32 $0x8, s23;
	v14 =	vand.u32 $0x7F, v23;
	v19 =	vor.u32 v4, v12;
	[tilespmem:v21+s11+$0x0] =	vst.idx.msk $0xffff, v22  }
0xba: {  	_ =	sdelay $0x3  }
0xbb: {  	v8 =	vld.idx.msk [tilespmem:v8+s3+$0x0], $0xffff;
	v21 =	vadd.s32 s24, v0;
	v20 =	vand.u32 $0x7F, v20;
	v22 =	vor.u32 v4, v14  }
0xbc: {  	v7 =	vld.idx.msk [tilespmem:v7+s3+$0x0], $0xffff;
	v6 =	vor.u32 v3, v6;
	v21 =	vand.u32 $0x7F, v21;
	v23 =	vor.u32 v4, v20  }
0xbd: {  	v17 =	vld.idx.msk [tilespmem:v17+s3+$0x0], $0xffff;
	v9 =	vor.u32 v3, v9;
	v57 =	vor.u32 v4, v21  }
0xbe: {  	[tilespmem:v11+s11+$0x0] =	vst.idx.msk $0xffff, v15;
	v58 =	vld.idx.msk [tilespmem:v18+s3+$0x0], $0xffff;
	v10 =	vor.u32 v3, v10  }
0xbf: {  	[tilespmem:v13+s11+$0x0] =	vst.idx.msk $0xffff, v16;
	v59 =	vld.idx.msk [tilespmem:v19+s3+$0x0], $0xffff;
	v12 =	vor.u32 v3, v12  }
0xc0: {  	v61 =	vor.u32 v3, v14;
	v60 =	vld.idx.msk [tilespmem:v22+s3+$0x0], $0xffff;
	[tilespmem:v5+s11+$0x0] =	vst.idx.msk $0xffff, v8  }
0xc1: {  	s22 =	sadd.s32 $0x1, s22;
	v63 =	vor.u32 v3, v20;
	[tilespmem:v6+s11+$0x0] =	vst.idx.msk $0xffff, v7;
	v62 =	vld.idx.msk [tilespmem:v23+s3+$0x0], $0xffff  }
0xc2: {  	p1 =	sne.s32 s22, $0x8;
	v3 =	vor.u32 v3, v21;
	[tilespmem:v9+s11+$0x0] =	vst.idx.msk $0xffff, v17;
	v4 =	vld.idx.msk [tilespmem:v57+s3+$0x0], $0xffff  }
.Ltmp5:
0xc3: {  	[tilespmem:v10+s11+$0x0] =	vst.idx.msk $0xffff, v58;
	(pc) =	sbr.rel @p1 .LBB2_11-.Ltmp5, $4  }
0xc4: {  	[tilespmem:v12+s11+$0x0] =	vst.idx.msk $0xffff, v59  }
0xc5: {  	[tilespmem:v61+s11+$0x0] =	vst.idx.msk $0xffff, v60  }
0xc6: {  	[tilespmem:v63+s11+$0x0] =	vst.idx.msk $0xffff, v62  }
0xc7: {  	[tilespmem:v3+s11+$0x0] =	vst.idx.msk $0xffff, v4  }
0xc8: {  	s20 =	sshll.u32 s20, $0xB  }
0xc9: {  	s19 =	sor.u32 $0x3, s19;
	s20 =	sadd.s32 s20, s5  }
0xca: {  	[hbm4b:s20+s3] =	stream.linear.scatter [tilespmem:s11], [sflag:$0x3], $0x4000, $0x38;
	[tilespmem:$0x12800] =	vst v63  }
0xcb: {  	s21 =	sshll.u32 s19, $0x7;
	s20 =	simm.s32 @!p0 $0x4  }
0xcc: {  	s21 =	sand.u32 $0x3FFFFF80, s21;
	_ =	swait.ge @!p0 [sflag:s20], $0x4000  }
0xcd: {  	s21 =	sadd.s32 $0x800, s21;
	[sflag:s20] =	ssyncset.done @!p0 $0x0  }
0xce: {  	v2 =	vmov s21;
	s21 =	simm.s32 $0x0;
	[sflag:s20] =	ssyncadd.s32 @!p0 $0xFFFFC000;
	s20 =	simm.s32 $0x0  }
.LBB2_15:
0xcf: {  	_ =	sdelay $0x1  }
0xd0: {  	s22 =	sshll.u32 s21, $0x4  }
0xd1: {  	s22 =	sand.u32 $0x3FFFFFF0, s22  }
0xd2: {  	v3 =	vld.idx.msk [tilespmem:v2+s22+$0x0 ss:$0x1], $0xffff;
	_ =	sdelay $0x4  }
0xd3: {  	v3 =	vor.u32 $0x1, v3  }
0xd4: {  	v3 =	vcvt.s32.f32 v3  }
0xd5: {  	v4 =	vadd.s32 s20, v0;
	s26 =	simm.s32 $0x6  }
0xd6: {  	s23 =	simm.s32 $0x5;
	s28 =	simm.s32 $0x4;
	v6 =	vand.u32 $0x7F, v4;
	v8 =	vadd.s32 s26, v0;
	v3 =	vshrl.u32 v3, $0x10  }
0xd7: {  	s24 =	sshll.u32 s21, $0xB;
	s25 =	simm.s32 $0x7;
	v10 =	vadd.s32 s23, v0;
	v11 =	vadd.s32 s28, v0;
	v5 =	vand.u32 $0xFF80, v3  }
0xd8: {  	v3 =	vor.u32 s24, v1;
	v4 =	vadd.s32 $0xFFFFC080, v5;
	v5 =	vadd.s32 s25, v0  }
0xd9: {  	s29 =	simm.s32 $0x3;
	v7 =	vor.u32 v3, v6;
	v6 =	vor.u32 v4, v6;
	v5 =	vand.u32 $0x7F, v5  }
0xda: {  	s30 =	simm.s32 $0x2;
	v13 =	vadd.s32 s29, v0;
	v11 =	vand.u32 $0x7F, v11;
	v9 =	vor.u32 v4, v5  }
0xdb: {  	v15 =	vadd.s32 s30, v0;
	v8 =	vand.u32 $0x7F, v8;
	v16 =	vor.u32 v4, v11  }
0xdc: {  	v10 =	vand.u32 $0x7F, v10;
	v13 =	vand.u32 $0x7F, v13;
	v12 =	vor.u32 v4, v8  }
0xdd: {  	s31 =	simm.s32 $0x1;
	v15 =	vand.u32 $0x7F, v15;
	v22 =	vor.u32 v3, v8;
	v14 =	vor.u32 v4, v10  }
0xde: {  	v24 =	vor.u32 v3, v10;
	v18 =	vor.u32 v4, v13;
	v17 =	vld.idx.msk [tilespmem:v6+s3+$0x0], $0xffff;
	v6 =	vadd.s32 s31, v0  }
0xdf: {  	s24 =	simm.s32 $0x8;
	v21 =	vor.u32 v4, v15;
	v20 =	vor.u32 v3, v5;
	v19 =	vand.u32 $0x7F, v6;
	v9 =	vld.idx.msk [tilespmem:v9+s3+$0x0], $0xffff  }
0xe0: {  	s25 =	simm.s32 $0xF;
	v25 =	vor.u32 v3, v11;
	v16 =	vld.idx.msk [tilespmem:v16+s3+$0x0], $0xffff;
	v6 =	vadd.s32 s24, v0;
	v23 =	vor.u32 v4, v19  }
0xe1: {  	s28 =	simm.s32 $0xD;
	v27 =	vor.u32 v3, v13;
	v10 =	vadd.s32 s25, v0;
	v12 =	vld.idx.msk [tilespmem:v12+s3+$0x0], $0xffff;
	v6 =	vand.u32 $0x7F, v6  }
0xe2: {  	s26 =	simm.s32 $0xE;
	v11 =	vor.u32 v3, v15;
	v15 =	vadd.s32 s28, v0;
	v14 =	vld.idx.msk [tilespmem:v14+s3+$0x0], $0xffff;
	v5 =	vor.u32 v3, v6  }
0xe3: {  	v26 =	vld.idx.msk [tilespmem:v18+s3+$0x0], $0xffff;
	v8 =	vor.u32 v4, v6;
	v6 =	vand.u32 $0x7F, v10;
	v10 =	vadd.s32 s26, v0;
	[tilespmem:v7+s12+$0x0] =	vst.idx.msk $0xffff, v17  }
0xe4: {  	[tilespmem:v20+s12+$0x0] =	vst.idx.msk $0xffff, v9;
	v9 =	vand.u32 $0x7F, v10;
	v10 =	vand.u32 $0x7F, v15;
	v15 =	vld.idx.msk [tilespmem:v21+s3+$0x0], $0xffff  }
0xe5: {  	s29 =	simm.s32 $0xC;
	v13 =	vor.u32 v3, v19;
	v7 =	vor.u32 v4, v6;
	[tilespmem:v25+s12+$0x0] =	vst.idx.msk $0xffff, v16;
	v16 =	vld.idx.msk [tilespmem:v23+s3+$0x0], $0xffff  }
0xe6: {  	s30 =	simm.s32 $0xB;
	[tilespmem:v22+s12+$0x0] =	vst.idx.msk $0xffff, v12;
	v12 =	vadd.s32 s29, v0;
	v17 =	vor.u32 v4, v9  }
0xe7: {  	s31 =	simm.s32 $0xA;
	[tilespmem:v24+s12+$0x0] =	vst.idx.msk $0xffff, v14;
	v14 =	vadd.s32 s30, v0;
	v12 =	vand.u32 $0x7F, v12;
	v18 =	vor.u32 v4, v10  }
0xe8: {  	s23 =	simm.s32 $0x9;
	s22 =	simm.s32 $0x10;
	[tilespmem:v27+s12+$0x0] =	vst.idx.msk $0xffff, v26;
	v20 =	vadd.s32 s31, v0;
	v14 =	vand.u32 $0x7F, v14;
	v19 =	vor.u32 v4, v12  }
.LBB2_16:
0xe9: {  	p0 =	slt.u32 s22, $0x78;
	v21 =	vld.idx.msk [tilespmem:v8+s3+$0x0], $0xffff;
	v8 =	vadd.s32 s23, v0;
	v20 =	vand.u32 $0x7F, v20;
	v22 =	vor.u32 v4, v14;
	[tilespmem:v11+s12+$0x0] =	vst.idx.msk $0xffff, v15  }
0xea: {  	v23 =	vand.u32 $0x7F, v8;
	v11 =	vor.u32 v4, v20;
	v24 =	vld.idx.msk [tilespmem:v7+s3+$0x0], $0xffff;
	[tilespmem:v13+s12+$0x0] =	vst.idx.msk $0xffff, v16  }
0xeb: {  	v25 =	vor.u32 v3, v6;
	v7 =	vadd.s32 s22, v0;
	v13 =	vor.u32 v4, v23;
	v17 =	vld.idx.msk [tilespmem:v17+s3+$0x0], $0xffff  }
0xec: {  	s23 =	sadd.s32 $0x7, s22;
	v26 =	vor.u32 v3, v9;
	v6 =	vand.u32 $0x7F, v7;
	v18 =	vld.idx.msk [tilespmem:v18+s3+$0x0], $0xffff  }
0xed: {  	v27 =	vor.u32 v3, v10;
	v7 =	vadd.s32 s23, v0;
	v9 =	vor.u32 v3, v6;
	v19 =	vld.idx.msk [tilespmem:v19+s3+$0x0], $0xffff  }
0xee: {  	v28 =	vor.u32 v3, v12;
	v8 =	vor.u32 v4, v6;
	v6 =	vand.u32 $0x7F, v7;
	v22 =	vld.idx.msk [tilespmem:v22+s3+$0x0], $0xffff  }
0xef: {  	s23 =	sadd.s32 $0x6, s22;
	v7 =	vor.u32 v4, v6;
	[tilespmem:v5+s12+$0x0] =	vst.idx.msk $0xffff, v21;
	v15 =	vld.idx.msk [tilespmem:v11+s3+$0x0], $0xffff;
	v21 =	vor.u32 v3, v14  }
.Ltmp6:
0xf0: {  	s24 =	sadd.s32 $0x5, s22;
	v10 =	vadd.s32 s23, v0;
	v11 =	vor.u32 v3, v20;
	v5 =	vmov v9;
	v16 =	vld.idx.msk [tilespmem:v13+s3+$0x0], $0xffff;
	[tilespmem:v25+s12+$0x0] =	vst.idx.msk $0xffff, v24;
	(pc) =	sbr.rel @p0 .LBB2_16-.Ltmp6, $4  }
0xf1: {  	v12 =	vadd.s32 s24, v0;
	s23 =	sadd.s32 $0x4, s22;
	v9 =	vand.u32 $0x7F, v10;
	v13 =	vor.u32 v3, v23;
	[tilespmem:v26+s12+$0x0] =	vst.idx.msk $0xffff, v17  }
0xf2: {  	s24 =	sadd.s32 $0x3, s22;
	v14 =	vadd.s32 s23, v0;
	v10 =	vand.u32 $0x7F, v12;
	v17 =	vor.u32 v4, v9;
	[tilespmem:v27+s12+$0x0] =	vst.idx.msk $0xffff, v18  }
0xf3: {  	s25 =	sadd.s32 $0x2, s22;
	v23 =	vadd.s32 s24, v0;
	v12 =	vand.u32 $0x7F, v14;
	v18 =	vor.u32 v4, v10;
	[tilespmem:v28+s12+$0x0] =	vst.idx.msk $0xffff, v19  }
0xf4: {  	s23 =	sadd.s32 $0x1, s22;
	v20 =	vadd.s32 s25, v0;
	s22 =	sadd.s32 $0x8, s22;
	v14 =	vand.u32 $0x7F, v23;
	v19 =	vor.u32 v4, v12;
	[tilespmem:v21+s12+$0x0] =	vst.idx.msk $0xffff, v22  }
0xf5: {  	_ =	sdelay $0x3  }
0xf6: {  	v8 =	vld.idx.msk [tilespmem:v8+s3+$0x0], $0xffff;
	v21 =	vadd.s32 s23, v0;
	v20 =	vand.u32 $0x7F, v20;
	v22 =	vor.u32 v4, v14  }
0xf7: {  	v7 =	vld.idx.msk [tilespmem:v7+s3+$0x0], $0xffff;
	v6 =	vor.u32 v3, v6;
	v21 =	vand.u32 $0x7F, v21;
	v23 =	vor.u32 v4, v20  }
0xf8: {  	v17 =	vld.idx.msk [tilespmem:v17+s3+$0x0], $0xffff;
	v9 =	vor.u32 v3, v9;
	v57 =	vor.u32 v4, v21  }
0xf9: {  	[tilespmem:v11+s12+$0x0] =	vst.idx.msk $0xffff, v15;
	v58 =	vld.idx.msk [tilespmem:v18+s3+$0x0], $0xffff;
	v10 =	vor.u32 v3, v10  }
0xfa: {  	[tilespmem:v13+s12+$0x0] =	vst.idx.msk $0xffff, v16;
	v59 =	vld.idx.msk [tilespmem:v19+s3+$0x0], $0xffff;
	v12 =	vor.u32 v3, v12  }
0xfb: {  	v61 =	vor.u32 v3, v14;
	v60 =	vld.idx.msk [tilespmem:v22+s3+$0x0], $0xffff;
	[tilespmem:v5+s12+$0x0] =	vst.idx.msk $0xffff, v8  }
0xfc: {  	s21 =	sadd.s32 $0x1, s21;
	v63 =	vor.u32 v3, v20;
	[tilespmem:v6+s12+$0x0] =	vst.idx.msk $0xffff, v7;
	v62 =	vld.idx.msk [tilespmem:v23+s3+$0x0], $0xffff  }
0xfd: {  	p0 =	sne.s32 s21, $0x8;
	v3 =	vor.u32 v3, v21;
	[tilespmem:v9+s12+$0x0] =	vst.idx.msk $0xffff, v17;
	v4 =	vld.idx.msk [tilespmem:v57+s3+$0x0], $0xffff  }
.Ltmp7:
0xfe: {  	[tilespmem:v10+s12+$0x0] =	vst.idx.msk $0xffff, v58;
	(pc) =	sbr.rel @p0 .LBB2_15-.Ltmp7, $4  }
0xff: {  	[tilespmem:v12+s12+$0x0] =	vst.idx.msk $0xffff, v59  }
0x100: {  	[tilespmem:v61+s12+$0x0] =	vst.idx.msk $0xffff, v60  }
0x101: {  	[tilespmem:v63+s12+$0x0] =	vst.idx.msk $0xffff, v62  }
0x102: {  	[tilespmem:v3+s12+$0x0] =	vst.idx.msk $0xffff, v4  }
0x103: {  	s18 =	sadd.s32 $0x1, s18  }
0x104: {  	p0 =	sne.s32 s18, $0x10  }
.Ltmp8:
0x105: {  	_ = 	snop;
	(pc) =	sbr.rel @p0 .LBB2_2-.Ltmp8, $4  }
0x106: {  	_ = 	snop  }
0x107: {  	s19 =	sshll.u32 s19, $0xB  }
0x108: {  	s19 =	sadd.s32 s19, s5  }
0x109: {  	[hbm4b:s19+s3] =	stream.linear.scatter [tilespmem:s12], [sflag:$0x4], $0x4000, $0x38;
	[tilespmem:$0x12800] =	vst v63  }
0x10a: {  	_ =	swait.ge [sflag:s13], $0x4000  }
0x10b: {  	[sflag:s13] =	ssyncset.done $0x0  }
0x10c: {  	[sflag:s13] =	ssyncadd.s32 $0xFFFFC000  }
0x10d: {  	_ =	swait.ge [sflag:s14], $0x4000  }
0x10e: {  	[sflag:s14] =	ssyncset.done $0x0  }
0x10f: {  	s17 =	sadd.s32 $0x1, s17;
	[sflag:s14] =	ssyncadd.s32 $0xFFFFC000  }
0x110: {  	p0 =	sne.s32 s17, s6;
	_ =	swait.ge [sflag:s15], $0x4000  }
.Ltmp9:
0x111: {  	[sflag:s15] =	ssyncset.done $0x0;
	(pc) =	sbr.rel @p0 .LBB2_1-.Ltmp9, $4  }
0x112: {  	[sflag:s15] =	ssyncadd.s32 $0xFFFFC000  }
0x113: {  	_ =	swait.ge [sflag:s16], $0x4000  }
0x114: {  	[sflag:s16] =	ssyncset.done $0x0  }
0x115: {  	[sflag:s16] =	ssyncadd.s32 $0xFFFFC000  }
0x116: {  	_ =	sfence.sel $0x180000  }
0x117: {  	[bflag:$0x0] =	sbarrier.arrive $0xFFFF  }
0x118: {  	p0 =	sne.s32 s2, $0x0;
	_ =	strace $0x90000047  }
0x119: {  	s0 =	sadd.s32 @!p0 $0x100000, s0;
	[bflag:$0x2] =	sbarrier.arrive $0xFFFF  }
0x11a: {  	[sflag:s0] =	ssyncadd.tile.s32 @!p0 $0x1;
	_ =	shalt  }
.Lfunc_end2:
_tile_overlayer_lowered:
.L_overlay_start_2:
0x11b: {  	(tag) =	ssettag $0x2  }
0x11c: {  	s0 =	rddreg [dreg:$0x0];
	s2 =	stileid.u32  }
0x11d: {  	s1 =	rddreg [dreg:$0x1];
	p0 =	sne.s32 s2, $0x0  }
0x11e: {  	s3 =	rddreg [dreg:$0x2];
	[bflag:$0x3] =	sbarrier.arrive $0xFFFF;
	s2 =	simm.s32 @!p0 $0x1C05  }
0x11f: {  	[timem:s3], [sflag:s2] =	dma.local @!p0 [hbm:s0], s1  }
0x120: {  	s0 =	simm.s32 @!p0 $0x5  }
0x121: {  	_ =	swait.ge @!p0 [sflag:s0], s1  }
0x122: {  	s1 =	ssub.s32 @!p0 $0x0, s1;
	[sflag:s0] =	ssyncset.done @!p0 $0x0  }
0x123: {  	[sflag:s0] =	ssyncadd.s32 @!p0 s1  }
0x124: {  	[bflag:$0x3] =	sbarrier.arrive $0xFFFF  }
0x125: {  	_ =	shalt  }

</sc_bundles>
